<compile_context>
chip_gen: v7x
topology: tpu7x:2x2x1
jax: 0.10.2.dev20260603
libtpu: 0.0.44.dev20260713+nightly
codegen_flags: <defaults>
</compile_context>

<pallas_src>
import jax
import jax.numpy as jnp
from jax import lax
from jax.experimental import pallas as pl
from jax.experimental.pallas import tpu as pltpu
from jax.experimental.pallas import tpu_sc as plsc

N_ITEMS = 100000
EMBED_DIM = 16
PACKED_DIM = EMBED_DIM // 2
N_EDGES = 3200000

NUM_CORES = 2
NUM_SUBCORES = 16
NUM_WORKERS = NUM_CORES * NUM_SUBCORES

CHUNK = 1024
N_CHUNKS = N_EDGES // CHUNK
GROUPS = CHUNK // 16
N_PAIRS = (N_CHUNKS // NUM_WORKERS + 1) // 2

_HI_MASK = -65536


def _sqrt16(x):
    i = lax.bitcast_convert_type(x, jnp.int32)
    y = lax.bitcast_convert_type(
        jnp.int32(0x5F3759DF) - lax.shift_right_arithmetic(i, 1), jnp.float32)
    half = jnp.float32(0.5) * x
    for _ in range(2):
        y = y * (jnp.float32(1.5) - half * y * y)
    return x * y


def _body(x_hbm, ei_hbm, ej_hbm, out_hbm,
          idx_l0, idx_r0, idx_l1, idx_r1,
          lhs0, rhs0, lhs1, rhs1, outb0, outb1,
          isem0, isem1, gsem0, gsem1, wsem0, wsem1):
    idx_l = (idx_l0, idx_l1)
    idx_r = (idx_r0, idx_r1)
    lhs = (lhs0, lhs1)
    rhs = (rhs0, rhs1)
    outb = (outb0, outb1)
    isem = (isem0, isem1)
    gsem = (gsem0, gsem1)
    wsem = (wsem0, wsem1)

    cid = lax.axis_index("c")
    sid = lax.axis_index("s")
    wid = sid * NUM_CORES + cid

    def svalid(s):
        return s * NUM_WORKERS + wid < N_CHUNKS

    def chunk_of(s):
        return s * NUM_WORKERS + wid

    def fire_idx(s, b):
        sl = pl.ds(chunk_of(s) * CHUNK, CHUNK)
        pltpu.async_copy(ei_hbm.at[sl], idx_l[b], isem[b])
        pltpu.async_copy(ej_hbm.at[sl], idx_r[b], isem[b])

    def fire_gathers(b):
        sl0 = pl.ds(0, CHUNK)
        pltpu.make_async_copy(ei_hbm.at[sl0], idx_l[b], isem[b]).wait()
        pltpu.make_async_copy(ej_hbm.at[sl0], idx_r[b], isem[b]).wait()
        pltpu.async_copy(x_hbm.at[idx_l[b]], lhs[b], gsem[b])
        pltpu.async_copy(x_hbm.at[idx_r[b]], rhs[b], gsem[b])

    def drain_gathers(b):
        pltpu.make_async_copy(x_hbm.at[idx_l[b]], lhs[b], gsem[b]).wait()
        pltpu.make_async_copy(x_hbm.at[idx_r[b]], rhs[b], gsem[b]).wait()

    def compute(s, b):
        def group_body(g2, _):
            for sub in range(2):
                g = g2 * 2 + sub
                rows = g * 16 + lax.iota(jnp.int32, 16)
                acc = jnp.zeros((16,), jnp.float32)
                for d2 in range(PACKED_DIM):
                    cols = jnp.full((16,), d2, jnp.int32)
                    a = plsc.load_gather(lhs[b], [rows, cols])
                    bb = plsc.load_gather(rhs[b], [rows, cols])
                    alo = lax.bitcast_convert_type(
                        lax.shift_left(a, 16), jnp.float32)
                    blo = lax.bitcast_convert_type(
                        lax.shift_left(bb, 16), jnp.float32)
                    ahi = lax.bitcast_convert_type(a & _HI_MASK, jnp.float32)
                    bhi = lax.bitcast_convert_type(bb & _HI_MASK, jnp.float32)
                    dlo = alo - blo
                    dhi = ahi - bhi
                    acc = acc + dlo * dlo
                    acc = acc + dhi * dhi
                outb[b][pl.ds(g * 16, 16)] = _sqrt16(acc + jnp.float32(1e-12))
            return ()

        lax.fori_loop(0, GROUPS // 2, group_body, (), unroll=False)
        pltpu.async_copy(outb[b], out_hbm.at[pl.ds(chunk_of(s) * CHUNK, CHUNK)],
                         wsem[b])

    def drain_write(b):
        pltpu.make_async_copy(outb[b], out_hbm.at[pl.ds(0, CHUNK)],
                              wsem[b]).wait()

    fire_idx(0, 0)

    @pl.when(svalid(1))
    def _():
        fire_idx(1, 1)

    fire_gathers(0)

    def pair_body(p, _):
        s = 2 * p

        @pl.when(svalid(s + 1))
        def _():
            fire_gathers(1)

        drain_gathers(0)

        @pl.when(svalid(s + 2))
        def _():
            fire_idx(s + 2, 0)

        @pl.when(p > 0)
        def _():
            drain_write(0)

        compute(s, 0)

        @pl.when(svalid(s + 2))
        def _():
            fire_gathers(0)

        @pl.when(svalid(s + 1))
        def _():
            drain_gathers(1)

            @pl.when(svalid(s + 3))
            def _():
                fire_idx(s + 3, 1)

            @pl.when(p > 0)
            def _():
                drain_write(1)

            compute(s + 1, 1)

        return ()

    lax.fori_loop(0, N_PAIRS, pair_body, (), unroll=False)

    drain_write(0)
    drain_write(1)


@jax.jit
def _mde_distances(x_packed, ei, ej):
    mesh = plsc.VectorSubcoreMesh(core_axis_name="c", subcore_axis_name="s")
    return pl.kernel(
        _body,
        out_type=jax.ShapeDtypeStruct((N_EDGES,), jnp.float32),
        mesh=mesh,
        compiler_params=pltpu.CompilerParams(
            needs_layout_passes=False, use_tc_tiling_on_sc=False),
        scratch_types=[
            pltpu.VMEM((CHUNK,), jnp.int32),
            pltpu.VMEM((CHUNK,), jnp.int32),
            pltpu.VMEM((CHUNK,), jnp.int32),
            pltpu.VMEM((CHUNK,), jnp.int32),
            pltpu.VMEM((CHUNK, PACKED_DIM), jnp.int32),
            pltpu.VMEM((CHUNK, PACKED_DIM), jnp.int32),
            pltpu.VMEM((CHUNK, PACKED_DIM), jnp.int32),
            pltpu.VMEM((CHUNK, PACKED_DIM), jnp.int32),
            pltpu.VMEM((CHUNK,), jnp.float32),
            pltpu.VMEM((CHUNK,), jnp.float32),
            pltpu.SemaphoreType.DMA,
            pltpu.SemaphoreType.DMA,
            pltpu.SemaphoreType.DMA,
            pltpu.SemaphoreType.DMA,
            pltpu.SemaphoreType.DMA,
            pltpu.SemaphoreType.DMA,
        ],
    )(x_packed, ei, ej)


def kernel(X, edges):
    edges = edges.astype(jnp.int32)
    ei = edges[:, 0]
    ej = edges[:, 1]
    xb = X.astype(jnp.bfloat16).reshape(N_ITEMS, PACKED_DIM, 2)
    x_packed = lax.bitcast_convert_type(xb, jnp.int32)
    return _mde_distances(x_packed, ei, ej)

# --- scband reference (transcript-rebuilt; emitter-appended) ---
"""Pipeline reference for scband-mde-38663295599392 (READ-ONLY COPY).

The authoritative reference and input builder live on the scoring server;
editing this copy changes nothing except your own understanding.
"""

import jax, jax.numpy as jnp
import numpy as np

N_ITEMS = 100000
EMBED_DIM = 16
N_EDGES = 3200000


def setup_inputs(seed: int = 0) -> dict:
    key = jax.random.key(seed)
    k1, k2, k3 = jax.random.split(key, 3)
    X = jax.random.normal(k1, (N_ITEMS, EMBED_DIM), dtype=jnp.float32)
    i = jax.random.randint(k2, (N_EDGES,), 0, N_ITEMS, dtype=jnp.int64)
    j = jax.random.randint(k3, (N_EDGES,), 0, N_ITEMS, dtype=jnp.int64)
    # MDE forbids self-edges; bump j when it collides with i
    j = jnp.where(j == i, (j + 1) % N_ITEMS, j)
    edges = jnp.stack([i, j], axis=1)
    return {"X": X, "edges": edges}


def reference(X, edges):
    # MDE.differences: gather lhs/rhs rows of the embedding by edge endpoints
    lhs = jnp.take(X, edges[:, 0], axis=0)
    rhs = jnp.take(X, edges[:, 1], axis=0)
    diffs = lhs - rhs
    # MDE.distances: per-edge Euclidean norm of differences (eps for numerical safety)
    return jnp.sqrt(jnp.sum(diffs * diffs, axis=1) + 1e-12)

if __name__ == "__main__":
    import jax
    _d = setup_inputs()
    print(jax.jit(kernel)(*tuple(_d.values())))

</pallas_src>

<mosaic_0001>
#map = affine_map<(d0, d1) -> (0, 0)>
#map1 = affine_map<(d0, d1) -> (0)>
module attributes {stable_mosaic.version = 14 : i64} {
  func.func @_body(%arg0: i32, %arg1: i32, %arg2: memref<100000x8xi32, #tpu.memory_space<hbm>>, %arg3: memref<3200000xi32, #tpu.memory_space<hbm>>, %arg4: memref<3200000xi32, #tpu.memory_space<hbm>>, %arg5: memref<3200000xf32, #tpu.memory_space<hbm>>, %arg6: memref<1024xi32, #tpu.memory_space<vmem>>, %arg7: memref<1024xi32, #tpu.memory_space<vmem>>, %arg8: memref<1024xi32, #tpu.memory_space<vmem>>, %arg9: memref<1024xi32, #tpu.memory_space<vmem>>, %arg10: memref<1024x8xi32, #tpu.memory_space<vmem>>, %arg11: memref<1024x8xi32, #tpu.memory_space<vmem>>, %arg12: memref<1024x8xi32, #tpu.memory_space<vmem>>, %arg13: memref<1024x8xi32, #tpu.memory_space<vmem>>, %arg14: memref<1024xf32, #tpu.memory_space<vmem>>, %arg15: memref<1024xf32, #tpu.memory_space<vmem>>, %arg16: memref<!tpu.dma_semaphore, #tpu.memory_space<semaphore_mem>>, %arg17: memref<!tpu.dma_semaphore, #tpu.memory_space<semaphore_mem>>, %arg18: memref<!tpu.dma_semaphore, #tpu.memory_space<semaphore_mem>>, %arg19: memref<!tpu.dma_semaphore, #tpu.memory_space<semaphore_mem>>, %arg20: memref<!tpu.dma_semaphore, #tpu.memory_space<semaphore_mem>>, %arg21: memref<!tpu.dma_semaphore, #tpu.memory_space<semaphore_mem>>) attributes {dimension_semantics = [#tpu.dimension_semantics<core_parallel>, #tpu.dimension_semantics<subcore_parallel>], iteration_bounds = array<i64: 2, 16>, scalar_prefetch = 0 : i64, scratch_operands = 16 : i64, tpu.core_type = #tpu.core_type<sc_vector_subcore>, window_params = [{transform_indices = #map}, {transform_indices = #map1}, {transform_indices = #map1}, {transform_indices = #map1}]} {
    %mul3A = arith.constant 2 : i32
    %mul3A_0 = arith.muli %arg1, %mul3A : i32
    %add3A = arith.addi %mul3A_0, %arg0 : i32
    %add3A_1 = arith.constant 0 : i32
    %add3A_2 = arith.addi %add3A_1, %add3A : i32
    %mul3A_3 = arith.constant 1024 : i32
    %mul3A_4 = arith.muli %add3A_2, %mul3A_3 : i32
    %dma_start3A = tpu.memref_slice %arg3[%mul3A_4] : memref<3200000xi32, #tpu.memory_space<hbm>> -> memref<1024xi32, #tpu.memory_space<hbm>>
    %dma_start3A_5 = tpu.memref_slice %arg3[%mul3A_4] : memref<3200000xi32, #tpu.memory_space<hbm>> -> memref<1024xi32, #tpu.memory_space<hbm>>
    tpu.enqueue_dma source(%dma_start3A_5 : memref<1024xi32, #tpu.memory_space<hbm>>) target(%arg6 : memref<1024xi32, #tpu.memory_space<vmem>>) target_semaphore(%arg16 : memref<!tpu.dma_semaphore, #tpu.memory_space<semaphore_mem>>)
    %dma_start3A_6 = tpu.memref_slice %arg4[%mul3A_4] : memref<3200000xi32, #tpu.memory_space<hbm>> -> memref<1024xi32, #tpu.memory_space<hbm>>
    %dma_start3A_7 = tpu.memref_slice %arg4[%mul3A_4] : memref<3200000xi32, #tpu.memory_space<hbm>> -> memref<1024xi32, #tpu.memory_space<hbm>>
    tpu.enqueue_dma source(%dma_start3A_7 : memref<1024xi32, #tpu.memory_space<hbm>>) target(%arg7 : memref<1024xi32, #tpu.memory_space<vmem>>) target_semaphore(%arg16 : memref<!tpu.dma_semaphore, #tpu.memory_space<semaphore_mem>>)
    %add3A_8 = arith.constant 32 : i32
    %add3A_9 = arith.addi %add3A_8, %add3A : i32
    %lt3A = arith.constant 3125 : i32
    %lt3A_10 = arith.cmpi slt, %add3A_9, %lt3A : i32
    %convert_element_type3A = arith.extui %lt3A_10 : i1 to i32
    %cond3A = arith.constant 0 : i32
    %cond3A_11 = arith.cmpi ne, %convert_element_type3A, %cond3A : i32
    scf.if %cond3A_11 {
      %add3A_37 = arith.constant 32 : i32
      %add3A_38 = arith.addi %add3A_37, %add3A : i32
      %mul3A_39 = arith.constant 1024 : i32
      %mul3A_40 = arith.muli %add3A_38, %mul3A_39 : i32
      %dma_start3A_41 = tpu.memref_slice %arg3[%mul3A_40] : memref<3200000xi32, #tpu.memory_space<hbm>> -> memref<1024xi32, #tpu.memory_space<hbm>>
      %dma_start3A_42 = tpu.memref_slice %arg3[%mul3A_40] : memref<3200000xi32, #tpu.memory_space<hbm>> -> memref<1024xi32, #tpu.memory_space<hbm>>
      tpu.enqueue_dma source(%dma_start3A_42 : memref<1024xi32, #tpu.memory_space<hbm>>) target(%arg8 : memref<1024xi32, #tpu.memory_space<vmem>>) target_semaphore(%arg17 : memref<!tpu.dma_semaphore, #tpu.memory_space<semaphore_mem>>)
      %dma_start3A_43 = tpu.memref_slice %arg4[%mul3A_40] : memref<3200000xi32, #tpu.memory_space<hbm>> -> memref<1024xi32, #tpu.memory_space<hbm>>
      %dma_start3A_44 = tpu.memref_slice %arg4[%mul3A_40] : memref<3200000xi32, #tpu.memory_space<hbm>> -> memref<1024xi32, #tpu.memory_space<hbm>>
      tpu.enqueue_dma source(%dma_start3A_44 : memref<1024xi32, #tpu.memory_space<hbm>>) target(%arg9 : memref<1024xi32, #tpu.memory_space<vmem>>) target_semaphore(%arg17 : memref<!tpu.dma_semaphore, #tpu.memory_space<semaphore_mem>>)
    } else {
    }
    %dma_wait3A = arith.constant 0 : i32
    %dma_wait3A_12 = tpu.memref_slice %arg3[%dma_wait3A] : memref<3200000xi32, #tpu.memory_space<hbm>> -> memref<1024xi32, #tpu.memory_space<hbm>>
    %dma_wait3A_13 = arith.constant 0 : i32
    %dma_wait3A_14 = tpu.memref_slice %arg3[%dma_wait3A_13] : memref<3200000xi32, #tpu.memory_space<hbm>> -> memref<1024xi32, #tpu.memory_space<hbm>>
    tpu.wait_dma2 semaphore(%arg16 : memref<!tpu.dma_semaphore, #tpu.memory_space<semaphore_mem>>) src(%dma_wait3A_14 : memref<1024xi32, #tpu.memory_space<hbm>>) dst(%arg6 : memref<1024xi32, #tpu.memory_space<vmem>>)
    %dma_wait3A_15 = arith.constant 0 : i32
    %dma_wait3A_16 = tpu.memref_slice %arg4[%dma_wait3A_15] : memref<3200000xi32, #tpu.memory_space<hbm>> -> memref<1024xi32, #tpu.memory_space<hbm>>
    %dma_wait3A_17 = arith.constant 0 : i32
    %dma_wait3A_18 = tpu.memref_slice %arg4[%dma_wait3A_17] : memref<3200000xi32, #tpu.memory_space<hbm>> -> memref<1024xi32, #tpu.memory_space<hbm>>
    tpu.wait_dma2 semaphore(%arg16 : memref<!tpu.dma_semaphore, #tpu.memory_space<semaphore_mem>>) src(%dma_wait3A_18 : memref<1024xi32, #tpu.memory_space<hbm>>) dst(%arg7 : memref<1024xi32, #tpu.memory_space<vmem>>)
    %dma_start3A_19 = arith.constant 0 : i32
    %dma_start3A_20 = arith.constant 0 : i32
    %dma_start3A_21 = tpu.memref_slice %arg2[%dma_start3A_19, %dma_start3A_20] : memref<100000x8xi32, #tpu.memory_space<hbm>> -> memref<100000x8xi32, #tpu.memory_space<hbm>>
    tpu.enqueue_indirect_dma source(%dma_start3A_21 : memref<100000x8xi32, #tpu.memory_space<hbm>>) target(%arg10 : memref<1024x8xi32, #tpu.memory_space<vmem>>) offsets(%arg6 : memref<1024xi32, #tpu.memory_space<vmem>>) semaphore(%arg18 : memref<!tpu.dma_semaphore, #tpu.memory_space<semaphore_mem>>)
    %dma_start3A_22 = arith.constant 0 : i32
    %dma_start3A_23 = arith.constant 0 : i32
    %dma_start3A_24 = tpu.memref_slice %arg2[%dma_start3A_22, %dma_start3A_23] : memref<100000x8xi32, #tpu.memory_space<hbm>> -> memref<100000x8xi32, #tpu.memory_space<hbm>>
    tpu.enqueue_indirect_dma source(%dma_start3A_24 : memref<100000x8xi32, #tpu.memory_space<hbm>>) target(%arg11 : memref<1024x8xi32, #tpu.memory_space<vmem>>) offsets(%arg7 : memref<1024xi32, #tpu.memory_space<vmem>>) semaphore(%arg18 : memref<!tpu.dma_semaphore, #tpu.memory_space<semaphore_mem>>)
    %scan3A = arith.constant 0 : i32
    %scan3A_25 = arith.constant 49 : i32
    %scan3A_26 = arith.addi %scan3A, %scan3A_25 : i32
    %scan3A_27 = arith.constant 1 : i32
    scf.for %scan3A_37 = %scan3A to %scan3A_26 step %scan3A_27  : i32 {
      %mul3A_38 = arith.constant 2 : i32
      %mul3A_39 = arith.muli %mul3A_38, %scan3A_37 : i32
      %add3A_40 = arith.constant 1 : i32
      %add3A_41 = arith.addi %mul3A_39, %add3A_40 : i32
      %mul3A_42 = arith.constant 32 : i32
      %mul3A_43 = arith.muli %add3A_41, %mul3A_42 : i32
      %add3A_44 = arith.addi %mul3A_43, %add3A : i32
      %lt3A_45 = arith.constant 3125 : i32
      %lt3A_46 = arith.cmpi slt, %add3A_44, %lt3A_45 : i32
      %convert_element_type3A_47 = arith.extui %lt3A_46 : i1 to i32
      %cond3A_48 = arith.constant 0 : i32
      %cond3A_49 = arith.cmpi ne, %convert_element_type3A_47, %cond3A_48 : i32
      scf.if %cond3A_49 {
        %dma_wait3A_102 = arith.constant 0 : i32
        %dma_wait3A_103 = tpu.memref_slice %arg3[%dma_wait3A_102] : memref<3200000xi32, #tpu.memory_space<hbm>> -> memref<1024xi32, #tpu.memory_space<hbm>>
        %dma_wait3A_104 = arith.constant 0 : i32
        %dma_wait3A_105 = tpu.memref_slice %arg3[%dma_wait3A_104] : memref<3200000xi32, #tpu.memory_space<hbm>> -> memref<1024xi32, #tpu.memory_space<hbm>>
        tpu.wait_dma2 semaphore(%arg17 : memref<!tpu.dma_semaphore, #tpu.memory_space<semaphore_mem>>) src(%dma_wait3A_105 : memref<1024xi32, #tpu.memory_space<hbm>>) dst(%arg8 : memref<1024xi32, #tpu.memory_space<vmem>>)
        %dma_wait3A_106 = arith.constant 0 : i32
        %dma_wait3A_107 = tpu.memref_slice %arg4[%dma_wait3A_106] : memref<3200000xi32, #tpu.memory_space<hbm>> -> memref<1024xi32, #tpu.memory_space<hbm>>
        %dma_wait3A_108 = arith.constant 0 : i32
        %dma_wait3A_109 = tpu.memref_slice %arg4[%dma_wait3A_108] : memref<3200000xi32, #tpu.memory_space<hbm>> -> memref<1024xi32, #tpu.memory_space<hbm>>
        tpu.wait_dma2 semaphore(%arg17 : memref<!tpu.dma_semaphore, #tpu.memory_space<semaphore_mem>>) src(%dma_wait3A_109 : memref<1024xi32, #tpu.memory_space<hbm>>) dst(%arg9 : memref<1024xi32, #tpu.memory_space<vmem>>)
        %dma_start3A_110 = arith.constant 0 : i32
        %dma_start3A_111 = arith.constant 0 : i32
        %dma_start3A_112 = tpu.memref_slice %arg2[%dma_start3A_110, %dma_start3A_111] : memref<100000x8xi32, #tpu.memory_space<hbm>> -> memref<100000x8xi32, #tpu.memory_space<hbm>>
        tpu.enqueue_indirect_dma source(%dma_start3A_112 : memref<100000x8xi32, #tpu.memory_space<hbm>>) target(%arg12 : memref<1024x8xi32, #tpu.memory_space<vmem>>) offsets(%arg8 : memref<1024xi32, #tpu.memory_space<vmem>>) semaphore(%arg19 : memref<!tpu.dma_semaphore, #tpu.memory_space<semaphore_mem>>)
        %dma_start3A_113 = arith.constant 0 : i32
        %dma_start3A_114 = arith.constant 0 : i32
        %dma_start3A_115 = tpu.memref_slice %arg2[%dma_start3A_113, %dma_start3A_114] : memref<100000x8xi32, #tpu.memory_space<hbm>> -> memref<100000x8xi32, #tpu.memory_space<hbm>>
        tpu.enqueue_indirect_dma source(%dma_start3A_115 : memref<100000x8xi32, #tpu.memory_space<hbm>>) target(%arg13 : memref<1024x8xi32, #tpu.memory_space<vmem>>) offsets(%arg9 : memref<1024xi32, #tpu.memory_space<vmem>>) semaphore(%arg19 : memref<!tpu.dma_semaphore, #tpu.memory_space<semaphore_mem>>)
      } else {
      }
      %dma_wait3A_50 = arith.constant 0 : i32
      %dma_wait3A_51 = arith.constant 0 : i32
      %dma_wait3A_52 = tpu.memref_slice %arg2[%dma_wait3A_50, %dma_wait3A_51] : memref<100000x8xi32, #tpu.memory_space<hbm>> -> memref<100000x8xi32, #tpu.memory_space<hbm>>
      tpu.wait_indirect_dma semaphore(%arg18 : memref<!tpu.dma_semaphore, #tpu.memory_space<semaphore_mem>>) src(%dma_wait3A_52 : memref<100000x8xi32, #tpu.memory_space<hbm>>) dst(%arg10 : memref<1024x8xi32, #tpu.memory_space<vmem>>)
      %dma_wait3A_53 = arith.constant 0 : i32
      %dma_wait3A_54 = arith.constant 0 : i32
      %dma_wait3A_55 = tpu.memref_slice %arg2[%dma_wait3A_53, %dma_wait3A_54] : memref<100000x8xi32, #tpu.memory_space<hbm>> -> memref<100000x8xi32, #tpu.memory_space<hbm>>
      tpu.wait_indirect_dma semaphore(%arg18 : memref<!tpu.dma_semaphore, #tpu.memory_space<semaphore_mem>>) src(%dma_wait3A_55 : memref<100000x8xi32, #tpu.memory_space<hbm>>) dst(%arg11 : memref<1024x8xi32, #tpu.memory_space<vmem>>)
      %add3A_56 = arith.constant 2 : i32
      %add3A_57 = arith.addi %mul3A_39, %add3A_56 : i32
      %mul3A_58 = arith.constant 32 : i32
      %mul3A_59 = arith.muli %add3A_57, %mul3A_58 : i32
      %add3A_60 = arith.addi %mul3A_59, %add3A : i32
      %lt3A_61 = arith.constant 3125 : i32
      %lt3A_62 = arith.cmpi slt, %add3A_60, %lt3A_61 : i32
      %convert_element_type3A_63 = arith.extui %lt3A_62 : i1 to i32
      %cond3A_64 = arith.constant 0 : i32
      %cond3A_65 = arith.cmpi ne, %convert_element_type3A_63, %cond3A_64 : i32
      scf.if %cond3A_65 {
        %add3A_102 = arith.constant 2 : i32
        %add3A_103 = arith.addi %mul3A_39, %add3A_102 : i32
        %mul3A_104 = arith.constant 32 : i32
        %mul3A_105 = arith.muli %add3A_103, %mul3A_104 : i32
        %add3A_106 = arith.addi %mul3A_105, %add3A : i32
        %mul3A_107 = arith.constant 1024 : i32
        %mul3A_108 = arith.muli %add3A_106, %mul3A_107 : i32
        %dma_start3A_109 = tpu.memref_slice %arg3[%mul3A_108] : memref<3200000xi32, #tpu.memory_space<hbm>> -> memref<1024xi32, #tpu.memory_space<hbm>>
        %dma_start3A_110 = tpu.memref_slice %arg3[%mul3A_108] : memref<3200000xi32, #tpu.memory_space<hbm>> -> memref<1024xi32, #tpu.memory_space<hbm>>
        tpu.enqueue_dma source(%dma_start3A_110 : memref<1024xi32, #tpu.memory_space<hbm>>) target(%arg6 : memref<1024xi32, #tpu.memory_space<vmem>>) target_semaphore(%arg16 : memref<!tpu.dma_semaphore, #tpu.memory_space<semaphore_mem>>)
        %dma_start3A_111 = tpu.memref_slice %arg4[%mul3A_108] : memref<3200000xi32, #tpu.memory_space<hbm>> -> memref<1024xi32, #tpu.memory_space<hbm>>
        %dma_start3A_112 = tpu.memref_slice %arg4[%mul3A_108] : memref<3200000xi32, #tpu.memory_space<hbm>> -> memref<1024xi32, #tpu.memory_space<hbm>>
        tpu.enqueue_dma source(%dma_start3A_112 : memref<1024xi32, #tpu.memory_space<hbm>>) target(%arg7 : memref<1024xi32, #tpu.memory_space<vmem>>) target_semaphore(%arg16 : memref<!tpu.dma_semaphore, #tpu.memory_space<semaphore_mem>>)
      } else {
      }
      %gt3A = arith.constant 0 : i32
      %gt3A_66 = arith.cmpi sgt, %scan3A_37, %gt3A : i32
      %convert_element_type3A_67 = arith.extui %gt3A_66 : i1 to i32
      %cond3A_68 = arith.constant 0 : i32
      %cond3A_69 = arith.cmpi ne, %convert_element_type3A_67, %cond3A_68 : i32
      scf.if %cond3A_69 {
        %dma_wait3A_102 = arith.constant 0 : i32
        %dma_wait3A_103 = tpu.memref_slice %arg5[%dma_wait3A_102] : memref<3200000xf32, #tpu.memory_space<hbm>> -> memref<1024xf32, #tpu.memory_space<hbm>>
        %dma_wait3A_104 = arith.constant 0 : i32
        %dma_wait3A_105 = tpu.memref_slice %arg5[%dma_wait3A_104] : memref<3200000xf32, #tpu.memory_space<hbm>> -> memref<1024xf32, #tpu.memory_space<hbm>>
        tpu.wait_dma2 semaphore(%arg20 : memref<!tpu.dma_semaphore, #tpu.memory_space<semaphore_mem>>) src(%arg14 : memref<1024xf32, #tpu.memory_space<vmem>>) dst(%dma_wait3A_105 : memref<1024xf32, #tpu.memory_space<hbm>>)
      } else {
      }
      %scan3A_70 = arith.constant 0 : i32
      %scan3A_71 = arith.constant 32 : i32
      %scan3A_72 = arith.addi %scan3A_70, %scan3A_71 : i32
      %scan3A_73 = arith.constant 1 : i32
      scf.for %scan3A_102 = %scan3A_70 to %scan3A_72 step %scan3A_73  : i32 {
        %mul3A_103 = arith.constant 2 : i32
        %mul3A_104 = arith.muli %scan3A_102, %mul3A_103 : i32
        %add3A_105 = arith.constant 0 : i32
        %add3A_106 = arith.addi %mul3A_104, %add3A_105 : i32
        %mul3A_107 = arith.constant 16 : i32
        %mul3A_108 = arith.muli %add3A_106, %mul3A_107 : i32
        %iota3A = tpu.iota {dimensions = array<i32: 0>} : vector<16xi32>
        %add3A_109 = vector.broadcast %mul3A_108 : i32 to vector<16xi32>
        %add3A_110 = arith.addi %add3A_109, %iota3A : vector<16xi32>
        %broadcast_in_dim3A = arith.constant 0.000000e+00 : f32
        %broadcast_in_dim3A_111 = vector.broadcast %broadcast_in_dim3A : f32 to vector<16xf32>
        %broadcast_in_dim3A_112 = arith.constant 0 : i32
        %broadcast_in_dim3A_113 = vector.broadcast %broadcast_in_dim3A_112 : i32 to vector<16xi32>
        %gather3A = tpu.vector_load_idx %arg10[%add3A_110, %broadcast_in_dim3A_113] : memref<1024x8xi32, #tpu.memory_space<vmem>>[vector<16xi32>, vector<16xi32>], vector<16xi32>,
        %gather3A_114 = tpu.vector_load_idx %arg11[%add3A_110, %broadcast_in_dim3A_113] : memref<1024x8xi32, #tpu.memory_space<vmem>>[vector<16xi32>, vector<16xi32>], vector<16xi32>,
        %shift_left3A = arith.constant 16 : i32
        %shift_left3A_115 = vector.broadcast %shift_left3A : i32 to vector<16xi32>
        %shift_left3A_116 = arith.shli %gather3A, %shift_left3A_115 : vector<16xi32>
        %bitcast_convert_type3A = tpu.bitcast %shift_left3A_116 : vector<16xi32> -> vector<16xf32>
        %shift_left3A_117 = arith.constant 16 : i32
        %shift_left3A_118 = vector.broadcast %shift_left3A_117 : i32 to vector<16xi32>
        %shift_left3A_119 = arith.shli %gather3A_114, %shift_left3A_118 : vector<16xi32>
        %bitcast_convert_type3A_120 = tpu.bitcast %shift_left3A_119 : vector<16xi32> -> vector<16xf32>
        %and3A = arith.constant -65536 : i32
        %and3A_121 = vector.broadcast %and3A : i32 to vector<16xi32>
        %and3A_122 = arith.andi %gather3A, %and3A_121 : vector<16xi32>
        %bitcast_convert_type3A_123 = tpu.bitcast %and3A_122 : vector<16xi32> -> vector<16xf32>
        %and3A_124 = arith.constant -65536 : i32
        %and3A_125 = vector.broadcast %and3A_124 : i32 to vector<16xi32>
        %and3A_126 = arith.andi %gather3A_114, %and3A_125 : vector<16xi32>
        %bitcast_convert_type3A_127 = tpu.bitcast %and3A_126 : vector<16xi32> -> vector<16xf32>
        %sub3A = arith.subf %bitcast_convert_type3A, %bitcast_convert_type3A_120 : vector<16xf32>
        %sub3A_128 = arith.subf %bitcast_convert_type3A_123, %bitcast_convert_type3A_127 : vector<16xf32>
        %mul3A_129 = arith.mulf %sub3A, %sub3A : vector<16xf32>
        %add3A_130 = arith.addf %broadcast_in_dim3A_111, %mul3A_129 : vector<16xf32>
        %mul3A_131 = arith.mulf %sub3A_128, %sub3A_128 : vector<16xf32>
        %add3A_132 = arith.addf %add3A_130, %mul3A_131 : vector<16xf32>
        %broadcast_in_dim3A_133 = arith.constant 1 : i32
        %broadcast_in_dim3A_134 = vector.broadcast %broadcast_in_dim3A_133 : i32 to vector<16xi32>
        %gather3A_135 = tpu.vector_load_idx %arg10[%add3A_110, %broadcast_in_dim3A_134] : memref<1024x8xi32, #tpu.memory_space<vmem>>[vector<16xi32>, vector<16xi32>], vector<16xi32>,
        %gather3A_136 = tpu.vector_load_idx %arg11[%add3A_110, %broadcast_in_dim3A_134] : memref<1024x8xi32, #tpu.memory_space<vmem>>[vector<16xi32>, vector<16xi32>], vector<16xi32>,
        %shift_left3A_137 = arith.constant 16 : i32
        %shift_left3A_138 = vector.broadcast %shift_left3A_137 : i32 to vector<16xi32>
        %shift_left3A_139 = arith.shli %gather3A_135, %shift_left3A_138 : vector<16xi32>
        %bitcast_convert_type3A_140 = tpu.bitcast %shift_left3A_139 : vector<16xi32> -> vector<16xf32>
        %shift_left3A_141 = arith.constant 16 : i32
        %shift_left3A_142 = vector.broadcast %shift_left3A_141 : i32 to vector<16xi32>
        %shift_left3A_143 = arith.shli %gather3A_136, %shift_left3A_142 : vector<16xi32>
        %bitcast_convert_type3A_144 = tpu.bitcast %shift_left3A_143 : vector<16xi32> -> vector<16xf32>
        %and3A_145 = arith.constant -65536 : i32
        %and3A_146 = vector.broadcast %and3A_145 : i32 to vector<16xi32>
        %and3A_147 = arith.andi %gather3A_135, %and3A_146 : vector<16xi32>
        %bitcast_convert_type3A_148 = tpu.bitcast %and3A_147 : vector<16xi32> -> vector<16xf32>
        %and3A_149 = arith.constant -65536 : i32
        %and3A_150 = vector.broadcast %and3A_149 : i32 to vector<16xi32>
        %and3A_151 = arith.andi %gather3A_136, %and3A_150 : vector<16xi32>
        %bitcast_convert_type3A_152 = tpu.bitcast %and3A_151 : vector<16xi32> -> vector<16xf32>
        %sub3A_153 = arith.subf %bitcast_convert_type3A_140, %bitcast_convert_type3A_144 : vector<16xf32>
        %sub3A_154 = arith.subf %bitcast_convert_type3A_148, %bitcast_convert_type3A_152 : vector<16xf32>
        %mul3A_155 = arith.mulf %sub3A_153, %sub3A_153 : vector<16xf32>
        %add3A_156 = arith.addf %add3A_132, %mul3A_155 : vector<16xf32>
        %mul3A_157 = arith.mulf %sub3A_154, %sub3A_154 : vector<16xf32>
        %add3A_158 = arith.addf %add3A_156, %mul3A_157 : vector<16xf32>
        %broadcast_in_dim3A_159 = arith.constant 2 : i32
        %broadcast_in_dim3A_160 = vector.broadcast %broadcast_in_dim3A_159 : i32 to vector<16xi32>
        %gather3A_161 = tpu.vector_load_idx %arg10[%add3A_110, %broadcast_in_dim3A_160] : memref<1024x8xi32, #tpu.memory_space<vmem>>[vector<16xi32>, vector<16xi32>], vector<16xi32>,
        %gather3A_162 = tpu.vector_load_idx %arg11[%add3A_110, %broadcast_in_dim3A_160] : memref<1024x8xi32, #tpu.memory_space<vmem>>[vector<16xi32>, vector<16xi32>], vector<16xi32>,
        %shift_left3A_163 = arith.constant 16 : i32
        %shift_left3A_164 = vector.broadcast %shift_left3A_163 : i32 to vector<16xi32>
        %shift_left3A_165 = arith.shli %gather3A_161, %shift_left3A_164 : vector<16xi32>
        %bitcast_convert_type3A_166 = tpu.bitcast %shift_left3A_165 : vector<16xi32> -> vector<16xf32>
        %shift_left3A_167 = arith.constant 16 : i32
        %shift_left3A_168 = vector.broadcast %shift_left3A_167 : i32 to vector<16xi32>
        %shift_left3A_169 = arith.shli %gather3A_162, %shift_left3A_168 : vector<16xi32>
        %bitcast_convert_type3A_170 = tpu.bitcast %shift_left3A_169 : vector<16xi32> -> vector<16xf32>
        %and3A_171 = arith.constant -65536 : i32
        %and3A_172 = vector.broadcast %and3A_171 : i32 to vector<16xi32>
        %and3A_173 = arith.andi %gather3A_161, %and3A_172 : vector<16xi32>
        %bitcast_convert_type3A_174 = tpu.bitcast %and3A_173 : vector<16xi32> -> vector<16xf32>
        %and3A_175 = arith.constant -65536 : i32
        %and3A_176 = vector.broadcast %and3A_175 : i32 to vector<16xi32>
        %and3A_177 = arith.andi %gather3A_162, %and3A_176 : vector<16xi32>
        %bitcast_convert_type3A_178 = tpu.bitcast %and3A_177 : vector<16xi32> -> vector<16xf32>
        %sub3A_179 = arith.subf %bitcast_convert_type3A_166, %bitcast_convert_type3A_170 : vector<16xf32>
        %sub3A_180 = arith.subf %bitcast_convert_type3A_174, %bitcast_convert_type3A_178 : vector<16xf32>
        %mul3A_181 = arith.mulf %sub3A_179, %sub3A_179 : vector<16xf32>
        %add3A_182 = arith.addf %add3A_158, %mul3A_181 : vector<16xf32>
        %mul3A_183 = arith.mulf %sub3A_180, %sub3A_180 : vector<16xf32>
        %add3A_184 = arith.addf %add3A_182, %mul3A_183 : vector<16xf32>
        %broadcast_in_dim3A_185 = arith.constant 3 : i32
        %broadcast_in_dim3A_186 = vector.broadcast %broadcast_in_dim3A_185 : i32 to vector<16xi32>
        %gather3A_187 = tpu.vector_load_idx %arg10[%add3A_110, %broadcast_in_dim3A_186] : memref<1024x8xi32, #tpu.memory_space<vmem>>[vector<16xi32>, vector<16xi32>], vector<16xi32>,
        %gather3A_188 = tpu.vector_load_idx %arg11[%add3A_110, %broadcast_in_dim3A_186] : memref<1024x8xi32, #tpu.memory_space<vmem>>[vector<16xi32>, vector<16xi32>], vector<16xi32>,
        %shift_left3A_189 = arith.constant 16 : i32
        %shift_left3A_190 = vector.broadcast %shift_left3A_189 : i32 to vector<16xi32>
        %shift_left3A_191 = arith.shli %gather3A_187, %shift_left3A_190 : vector<16xi32>
        %bitcast_convert_type3A_192 = tpu.bitcast %shift_left3A_191 : vector<16xi32> -> vector<16xf32>
        %shift_left3A_193 = arith.constant 16 : i32
        %shift_left3A_194 = vector.broadcast %shift_left3A_193 : i32 to vector<16xi32>
        %shift_left3A_195 = arith.shli %gather3A_188, %shift_left3A_194 : vector<16xi32>
        %bitcast_convert_type3A_196 = tpu.bitcast %shift_left3A_195 : vector<16xi32> -> vector<16xf32>
        %and3A_197 = arith.constant -65536 : i32
        %and3A_198 = vector.broadcast %and3A_197 : i32 to vector<16xi32>
        %and3A_199 = arith.andi %gather3A_187, %and3A_198 : vector<16xi32>
        %bitcast_convert_type3A_200 = tpu.bitcast %and3A_199 : vector<16xi32> -> vector<16xf32>
        %and3A_201 = arith.constant -65536 : i32
        %and3A_202 = vector.broadcast %and3A_201 : i32 to vector<16xi32>
        %and3A_203 = arith.andi %gather3A_188, %and3A_202 : vector<16xi32>
        %bitcast_convert_type3A_204 = tpu.bitcast %and3A_203 : vector<16xi32> -> vector<16xf32>
        %sub3A_205 = arith.subf %bitcast_convert_type3A_192, %bitcast_convert_type3A_196 : vector<16xf32>
        %sub3A_206 = arith.subf %bitcast_convert_type3A_200, %bitcast_convert_type3A_204 : vector<16xf32>
        %mul3A_207 = arith.mulf %sub3A_205, %sub3A_205 : vector<16xf32>
        %add3A_208 = arith.addf %add3A_184, %mul3A_207 : vector<16xf32>
        %mul3A_209 = arith.mulf %sub3A_206, %sub3A_206 : vector<16xf32>
        %add3A_210 = arith.addf %add3A_208, %mul3A_209 : vector<16xf32>
        %broadcast_in_dim3A_211 = arith.constant 4 : i32
        %broadcast_in_dim3A_212 = vector.broadcast %broadcast_in_dim3A_211 : i32 to vector<16xi32>
        %gather3A_213 = tpu.vector_load_idx %arg10[%add3A_110, %broadcast_in_dim3A_212] : memref<1024x8xi32, #tpu.memory_space<vmem>>[vector<16xi32>, vector<16xi32>], vector<16xi32>,
        %gather3A_214 = tpu.vector_load_idx %arg11[%add3A_110, %broadcast_in_dim3A_212] : memref<1024x8xi32, #tpu.memory_space<vmem>>[vector<16xi32>, vector<16xi32>], vector<16xi32>,
        %shift_left3A_215 = arith.constant 16 : i32
        %shift_left3A_216 = vector.broadcast %shift_left3A_215 : i32 to vector<16xi32>
        %shift_left3A_217 = arith.shli %gather3A_213, %shift_left3A_216 : vector<16xi32>
        %bitcast_convert_type3A_218 = tpu.bitcast %shift_left3A_217 : vector<16xi32> -> vector<16xf32>
        %shift_left3A_219 = arith.constant 16 : i32
        %shift_left3A_220 = vector.broadcast %shift_left3A_219 : i32 to vector<16xi32>
        %shift_left3A_221 = arith.shli %gather3A_214, %shift_left3A_220 : vector<16xi32>
        %bitcast_convert_type3A_222 = tpu.bitcast %shift_left3A_221 : vector<16xi32> -> vector<16xf32>
        %and3A_223 = arith.constant -65536 : i32
        %and3A_224 = vector.broadcast %and3A_223 : i32 to vector<16xi32>
        %and3A_225 = arith.andi %gather3A_213, %and3A_224 : vector<16xi32>
        %bitcast_convert_type3A_226 = tpu.bitcast %and3A_225 : vector<16xi32> -> vector<16xf32>
        %and3A_227 = arith.constant -65536 : i32
        %and3A_228 = vector.broadcast %and3A_227 : i32 to vector<16xi32>
        %and3A_229 = arith.andi %gather3A_214, %and3A_228 : vector<16xi32>
        %bitcast_convert_type3A_230 = tpu.bitcast %and3A_229 : vector<16xi32> -> vector<16xf32>
        %sub3A_231 = arith.subf %bitcast_convert_type3A_218, %bitcast_convert_type3A_222 : vector<16xf32>
        %sub3A_232 = arith.subf %bitcast_convert_type3A_226, %bitcast_convert_type3A_230 : vector<16xf32>
        %mul3A_233 = arith.mulf %sub3A_231, %sub3A_231 : vector<16xf32>
        %add3A_234 = arith.addf %add3A_210, %mul3A_233 : vector<16xf32>
        %mul3A_235 = arith.mulf %sub3A_232, %sub3A_232 : vector<16xf32>
        %add3A_236 = arith.addf %add3A_234, %mul3A_235 : vector<16xf32>
        %broadcast_in_dim3A_237 = arith.constant 5 : i32
        %broadcast_in_dim3A_238 = vector.broadcast %broadcast_in_dim3A_237 : i32 to vector<16xi32>
        %gather3A_239 = tpu.vector_load_idx %arg10[%add3A_110, %broadcast_in_dim3A_238] : memref<1024x8xi32, #tpu.memory_space<vmem>>[vector<16xi32>, vector<16xi32>], vector<16xi32>,
        %gather3A_240 = tpu.vector_load_idx %arg11[%add3A_110, %broadcast_in_dim3A_238] : memref<1024x8xi32, #tpu.memory_space<vmem>>[vector<16xi32>, vector<16xi32>], vector<16xi32>,
        %shift_left3A_241 = arith.constant 16 : i32
        %shift_left3A_242 = vector.broadcast %shift_left3A_241 : i32 to vector<16xi32>
        %shift_left3A_243 = arith.shli %gather3A_239, %shift_left3A_242 : vector<16xi32>
        %bitcast_convert_type3A_244 = tpu.bitcast %shift_left3A_243 : vector<16xi32> -> vector<16xf32>
        %shift_left3A_245 = arith.constant 16 : i32
        %shift_left3A_246 = vector.broadcast %shift_left3A_245 : i32 to vector<16xi32>
        %shift_left3A_247 = arith.shli %gather3A_240, %shift_left3A_246 : vector<16xi32>
        %bitcast_convert_type3A_248 = tpu.bitcast %shift_left3A_247 : vector<16xi32> -> vector<16xf32>
        %and3A_249 = arith.constant -65536 : i32
        %and3A_250 = vector.broadcast %and3A_249 : i32 to vector<16xi32>
        %and3A_251 = arith.andi %gather3A_239, %and3A_250 : vector<16xi32>
        %bitcast_convert_type3A_252 = tpu.bitcast %and3A_251 : vector<16xi32> -> vector<16xf32>
        %and3A_253 = arith.constant -65536 : i32
        %and3A_254 = vector.broadcast %and3A_253 : i32 to vector<16xi32>
        %and3A_255 = arith.andi %gather3A_240, %and3A_254 : vector<16xi32>
        %bitcast_convert_type3A_256 = tpu.bitcast %and3A_255 : vector<16xi32> -> vector<16xf32>
        %sub3A_257 = arith.subf %bitcast_convert_type3A_244, %bitcast_convert_type3A_248 : vector<16xf32>
        %sub3A_258 = arith.subf %bitcast_convert_type3A_252, %bitcast_convert_type3A_256 : vector<16xf32>
        %mul3A_259 = arith.mulf %sub3A_257, %sub3A_257 : vector<16xf32>
        %add3A_260 = arith.addf %add3A_236, %mul3A_259 : vector<16xf32>
        %mul3A_261 = arith.mulf %sub3A_258, %sub3A_258 : vector<16xf32>
        %add3A_262 = arith.addf %add3A_260, %mul3A_261 : vector<16xf32>
        %broadcast_in_dim3A_263 = arith.constant 6 : i32
        %broadcast_in_dim3A_264 = vector.broadcast %broadcast_in_dim3A_263 : i32 to vector<16xi32>
        %gather3A_265 = tpu.vector_load_idx %arg10[%add3A_110, %broadcast_in_dim3A_264] : memref<1024x8xi32, #tpu.memory_space<vmem>>[vector<16xi32>, vector<16xi32>], vector<16xi32>,
        %gather3A_266 = tpu.vector_load_idx %arg11[%add3A_110, %broadcast_in_dim3A_264] : memref<1024x8xi32, #tpu.memory_space<vmem>>[vector<16xi32>, vector<16xi32>], vector<16xi32>,
        %shift_left3A_267 = arith.constant 16 : i32
        %shift_left3A_268 = vector.broadcast %shift_left3A_267 : i32 to vector<16xi32>
        %shift_left3A_269 = arith.shli %gather3A_265, %shift_left3A_268 : vector<16xi32>
        %bitcast_convert_type3A_270 = tpu.bitcast %shift_left3A_269 : vector<16xi32> -> vector<16xf32>
        %shift_left3A_271 = arith.constant 16 : i32
        %shift_left3A_272 = vector.broadcast %shift_left3A_271 : i32 to vector<16xi32>
        %shift_left3A_273 = arith.shli %gather3A_266, %shift_left3A_272 : vector<16xi32>
        %bitcast_convert_type3A_274 = tpu.bitcast %shift_left3A_273 : vector<16xi32> -> vector<16xf32>
        %and3A_275 = arith.constant -65536 : i32
        %and3A_276 = vector.broadcast %and3A_275 : i32 to vector<16xi32>
        %and3A_277 = arith.andi %gather3A_265, %and3A_276 : vector<16xi32>
        %bitcast_convert_type3A_278 = tpu.bitcast %and3A_277 : vector<16xi32> -> vector<16xf32>
        %and3A_279 = arith.constant -65536 : i32
        %and3A_280 = vector.broadcast %and3A_279 : i32 to vector<16xi32>
        %and3A_281 = arith.andi %gather3A_266, %and3A_280 : vector<16xi32>
        %bitcast_convert_type3A_282 = tpu.bitcast %and3A_281 : vector<16xi32> -> vector<16xf32>
        %sub3A_283 = arith.subf %bitcast_convert_type3A_270, %bitcast_convert_type3A_274 : vector<16xf32>
        %sub3A_284 = arith.subf %bitcast_convert_type3A_278, %bitcast_convert_type3A_282 : vector<16xf32>
        %mul3A_285 = arith.mulf %sub3A_283, %sub3A_283 : vector<16xf32>
        %add3A_286 = arith.addf %add3A_262, %mul3A_285 : vector<16xf32>
        %mul3A_287 = arith.mulf %sub3A_284, %sub3A_284 : vector<16xf32>
        %add3A_288 = arith.addf %add3A_286, %mul3A_287 : vector<16xf32>
        %broadcast_in_dim3A_289 = arith.constant 7 : i32
        %broadcast_in_dim3A_290 = vector.broadcast %broadcast_in_dim3A_289 : i32 to vector<16xi32>
        %gather3A_291 = tpu.vector_load_idx %arg10[%add3A_110, %broadcast_in_dim3A_290] : memref<1024x8xi32, #tpu.memory_space<vmem>>[vector<16xi32>, vector<16xi32>], vector<16xi32>,
        %gather3A_292 = tpu.vector_load_idx %arg11[%add3A_110, %broadcast_in_dim3A_290] : memref<1024x8xi32, #tpu.memory_space<vmem>>[vector<16xi32>, vector<16xi32>], vector<16xi32>,
        %shift_left3A_293 = arith.constant 16 : i32
        %shift_left3A_294 = vector.broadcast %shift_left3A_293 : i32 to vector<16xi32>
        %shift_left3A_295 = arith.shli %gather3A_291, %shift_left3A_294 : vector<16xi32>
        %bitcast_convert_type3A_296 = tpu.bitcast %shift_left3A_295 : vector<16xi32> -> vector<16xf32>
        %shift_left3A_297 = arith.constant 16 : i32
        %shift_left3A_298 = vector.broadcast %shift_left3A_297 : i32 to vector<16xi32>
        %shift_left3A_299 = arith.shli %gather3A_292, %shift_left3A_298 : vector<16xi32>
        %bitcast_convert_type3A_300 = tpu.bitcast %shift_left3A_299 : vector<16xi32> -> vector<16xf32>
        %and3A_301 = arith.constant -65536 : i32
        %and3A_302 = vector.broadcast %and3A_301 : i32 to vector<16xi32>
        %and3A_303 = arith.andi %gather3A_291, %and3A_302 : vector<16xi32>
        %bitcast_convert_type3A_304 = tpu.bitcast %and3A_303 : vector<16xi32> -> vector<16xf32>
        %and3A_305 = arith.constant -65536 : i32
        %and3A_306 = vector.broadcast %and3A_305 : i32 to vector<16xi32>
        %and3A_307 = arith.andi %gather3A_292, %and3A_306 : vector<16xi32>
        %bitcast_convert_type3A_308 = tpu.bitcast %and3A_307 : vector<16xi32> -> vector<16xf32>
        %sub3A_309 = arith.subf %bitcast_convert_type3A_296, %bitcast_convert_type3A_300 : vector<16xf32>
        %sub3A_310 = arith.subf %bitcast_convert_type3A_304, %bitcast_convert_type3A_308 : vector<16xf32>
        %mul3A_311 = arith.mulf %sub3A_309, %sub3A_309 : vector<16xf32>
        %add3A_312 = arith.addf %add3A_288, %mul3A_311 : vector<16xf32>
        %mul3A_313 = arith.mulf %sub3A_310, %sub3A_310 : vector<16xf32>
        %add3A_314 = arith.addf %add3A_312, %mul3A_313 : vector<16xf32>
        %add3A_315 = arith.constant 9.99999996E-13 : f32
        %add3A_316 = vector.broadcast %add3A_315 : f32 to vector<16xf32>
        %add3A_317 = arith.addf %add3A_314, %add3A_316 : vector<16xf32>
        %bitcast_convert_type3A_318 = tpu.bitcast %add3A_317 : vector<16xf32> -> vector<16xi32>
        %shift_right_arithmetic3A = arith.constant 1 : i32
        %shift_right_arithmetic3A_319 = vector.broadcast %shift_right_arithmetic3A : i32 to vector<16xi32>
        %shift_right_arithmetic3A_320 = arith.shrsi %bitcast_convert_type3A_318, %shift_right_arithmetic3A_319 : vector<16xi32>
        %sub3A_321 = arith.constant 1597463007 : i32
        %sub3A_322 = vector.broadcast %sub3A_321 : i32 to vector<16xi32>
        %sub3A_323 = arith.subi %sub3A_322, %shift_right_arithmetic3A_320 : vector<16xi32>
        %bitcast_convert_type3A_324 = tpu.bitcast %sub3A_323 : vector<16xi32> -> vector<16xf32>
        %mul3A_325 = arith.constant 5.000000e-01 : f32
        %mul3A_326 = vector.broadcast %mul3A_325 : f32 to vector<16xf32>
        %mul3A_327 = arith.mulf %mul3A_326, %add3A_317 : vector<16xf32>
        %mul3A_328 = arith.mulf %mul3A_327, %bitcast_convert_type3A_324 : vector<16xf32>
        %mul3A_329 = arith.mulf %mul3A_328, %bitcast_convert_type3A_324 : vector<16xf32>
        %sub3A_330 = arith.constant 1.500000e+00 : f32
        %sub3A_331 = vector.broadcast %sub3A_330 : f32 to vector<16xf32>
        %sub3A_332 = arith.subf %sub3A_331, %mul3A_329 : vector<16xf32>
        %mul3A_333 = arith.mulf %bitcast_convert_type3A_324, %sub3A_332 : vector<16xf32>
        %mul3A_334 = arith.mulf %mul3A_327, %mul3A_333 : vector<16xf32>
        %mul3A_335 = arith.mulf %mul3A_334, %mul3A_333 : vector<16xf32>
        %sub3A_336 = arith.constant 1.500000e+00 : f32
        %sub3A_337 = vector.broadcast %sub3A_336 : f32 to vector<16xf32>
        %sub3A_338 = arith.subf %sub3A_337, %mul3A_335 : vector<16xf32>
        %mul3A_339 = arith.mulf %mul3A_333, %sub3A_338 : vector<16xf32>
        %mul3A_340 = arith.mulf %add3A_317, %mul3A_339 : vector<16xf32>
        %mul3A_341 = arith.constant 16 : i32
        %mul3A_342 = arith.muli %add3A_106, %mul3A_341 : i32
        %swap3A = arith.index_cast %mul3A_342 : i32 to index
        %swap3A_343 = tpu.vector_load %arg14[%swap3A] {strides = array<i32>} : memref<1024xf32, #tpu.memory_space<vmem>>, vector<16xf32>,
        tpu.vector_store %arg14[%swap3A], %mul3A_340 {strides = array<i32>} : memref<1024xf32, #tpu.memory_space<vmem>>, vector<16xf32>,
        %mul3A_344 = arith.constant 2 : i32
        %mul3A_345 = arith.muli %scan3A_102, %mul3A_344 : i32
        %add3A_346 = arith.constant 1 : i32
        %add3A_347 = arith.addi %mul3A_345, %add3A_346 : i32
        %mul3A_348 = arith.constant 16 : i32
        %mul3A_349 = arith.muli %add3A_347, %mul3A_348 : i32
        %iota3A_350 = tpu.iota {dimensions = array<i32: 0>} : vector<16xi32>
        %add3A_351 = vector.broadcast %mul3A_349 : i32 to vector<16xi32>
        %add3A_352 = arith.addi %add3A_351, %iota3A_350 : vector<16xi32>
        %broadcast_in_dim3A_353 = arith.constant 0.000000e+00 : f32
        %broadcast_in_dim3A_354 = vector.broadcast %broadcast_in_dim3A_353 : f32 to vector<16xf32>
        %broadcast_in_dim3A_355 = arith.constant 0 : i32
        %broadcast_in_dim3A_356 = vector.broadcast %broadcast_in_dim3A_355 : i32 to vector<16xi32>
        %gather3A_357 = tpu.vector_load_idx %arg10[%add3A_352, %broadcast_in_dim3A_356] : memref<1024x8xi32, #tpu.memory_space<vmem>>[vector<16xi32>, vector<16xi32>], vector<16xi32>,
        %gather3A_358 = tpu.vector_load_idx %arg11[%add3A_352, %broadcast_in_dim3A_356] : memref<1024x8xi32, #tpu.memory_space<vmem>>[vector<16xi32>, vector<16xi32>], vector<16xi32>,
        %shift_left3A_359 = arith.constant 16 : i32
        %shift_left3A_360 = vector.broadcast %shift_left3A_359 : i32 to vector<16xi32>
        %shift_left3A_361 = arith.shli %gather3A_357, %shift_left3A_360 : vector<16xi32>
        %bitcast_convert_type3A_362 = tpu.bitcast %shift_left3A_361 : vector<16xi32> -> vector<16xf32>
        %shift_left3A_363 = arith.constant 16 : i32
        %shift_left3A_364 = vector.broadcast %shift_left3A_363 : i32 to vector<16xi32>
        %shift_left3A_365 = arith.shli %gather3A_358, %shift_left3A_364 : vector<16xi32>
        %bitcast_convert_type3A_366 = tpu.bitcast %shift_left3A_365 : vector<16xi32> -> vector<16xf32>
        %and3A_367 = arith.constant -65536 : i32
        %and3A_368 = vector.broadcast %and3A_367 : i32 to vector<16xi32>
        %and3A_369 = arith.andi %gather3A_357, %and3A_368 : vector<16xi32>
        %bitcast_convert_type3A_370 = tpu.bitcast %and3A_369 : vector<16xi32> -> vector<16xf32>
        %and3A_371 = arith.constant -65536 : i32
        %and3A_372 = vector.broadcast %and3A_371 : i32 to vector<16xi32>
        %and3A_373 = arith.andi %gather3A_358, %and3A_372 : vector<16xi32>
        %bitcast_convert_type3A_374 = tpu.bitcast %and3A_373 : vector<16xi32> -> vector<16xf32>
        %sub3A_375 = arith.subf %bitcast_convert_type3A_362, %bitcast_convert_type3A_366 : vector<16xf32>
        %sub3A_376 = arith.subf %bitcast_convert_type3A_370, %bitcast_convert_type3A_374 : vector<16xf32>
        %mul3A_377 = arith.mulf %sub3A_375, %sub3A_375 : vector<16xf32>
        %add3A_378 = arith.addf %broadcast_in_dim3A_354, %mul3A_377 : vector<16xf32>
        %mul3A_379 = arith.mulf %sub3A_376, %sub3A_376 : vector<16xf32>
        %add3A_380 = arith.addf %add3A_378, %mul3A_379 : vector<16xf32>
        %broadcast_in_dim3A_381 = arith.constant 1 : i32
        %broadcast_in_dim3A_382 = vector.broadcast %broadcast_in_dim3A_381 : i32 to vector<16xi32>
        %gather3A_383 = tpu.vector_load_idx %arg10[%add3A_352, %broadcast_in_dim3A_382] : memref<1024x8xi32, #tpu.memory_space<vmem>>[vector<16xi32>, vector<16xi32>], vector<16xi32>,
        %gather3A_384 = tpu.vector_load_idx %arg11[%add3A_352, %broadcast_in_dim3A_382] : memref<1024x8xi32, #tpu.memory_space<vmem>>[vector<16xi32>, vector<16xi32>], vector<16xi32>,
        %shift_left3A_385 = arith.constant 16 : i32
        %shift_left3A_386 = vector.broadcast %shift_left3A_385 : i32 to vector<16xi32>
        %shift_left3A_387 = arith.shli %gather3A_383, %shift_left3A_386 : vector<16xi32>
        %bitcast_convert_type3A_388 = tpu.bitcast %shift_left3A_387 : vector<16xi32> -> vector<16xf32>
        %shift_left3A_389 = arith.constant 16 : i32
        %shift_left3A_390 = vector.broadcast %shift_left3A_389 : i32 to vector<16xi32>
        %shift_left3A_391 = arith.shli %gather3A_384, %shift_left3A_390 : vector<16xi32>
        %bitcast_convert_type3A_392 = tpu.bitcast %shift_left3A_391 : vector<16xi32> -> vector<16xf32>
        %and3A_393 = arith.constant -65536 : i32
        %and3A_394 = vector.broadcast %and3A_393 : i32 to vector<16xi32>
        %and3A_395 = arith.andi %gather3A_383, %and3A_394 : vector<16xi32>
        %bitcast_convert_type3A_396 = tpu.bitcast %and3A_395 : vector<16xi32> -> vector<16xf32>
        %and3A_397 = arith.constant -65536 : i32
        %and3A_398 = vector.broadcast %and3A_397 : i32 to vector<16xi32>
        %and3A_399 = arith.andi %gather3A_384, %and3A_398 : vector<16xi32>
        %bitcast_convert_type3A_400 = tpu.bitcast %and3A_399 : vector<16xi32> -> vector<16xf32>
        %sub3A_401 = arith.subf %bitcast_convert_type3A_388, %bitcast_convert_type3A_392 : vector<16xf32>
        %sub3A_402 = arith.subf %bitcast_convert_type3A_396, %bitcast_convert_type3A_400 : vector<16xf32>
        %mul3A_403 = arith.mulf %sub3A_401, %sub3A_401 : vector<16xf32>
        %add3A_404 = arith.addf %add3A_380, %mul3A_403 : vector<16xf32>
        %mul3A_405 = arith.mulf %sub3A_402, %sub3A_402 : vector<16xf32>
        %add3A_406 = arith.addf %add3A_404, %mul3A_405 : vector<16xf32>
        %broadcast_in_dim3A_407 = arith.constant 2 : i32
        %broadcast_in_dim3A_408 = vector.broadcast %broadcast_in_dim3A_407 : i32 to vector<16xi32>
        %gather3A_409 = tpu.vector_load_idx %arg10[%add3A_352, %broadcast_in_dim3A_408] : memref<1024x8xi32, #tpu.memory_space<vmem>>[vector<16xi32>, vector<16xi32>], vector<16xi32>,
        %gather3A_410 = tpu.vector_load_idx %arg11[%add3A_352, %broadcast_in_dim3A_408] : memref<1024x8xi32, #tpu.memory_space<vmem>>[vector<16xi32>, vector<16xi32>], vector<16xi32>,
        %shift_left3A_411 = arith.constant 16 : i32
        %shift_left3A_412 = vector.broadcast %shift_left3A_411 : i32 to vector<16xi32>
        %shift_left3A_413 = arith.shli %gather3A_409, %shift_left3A_412 : vector<16xi32>
        %bitcast_convert_type3A_414 = tpu.bitcast %shift_left3A_413 : vector<16xi32> -> vector<16xf32>
        %shift_left3A_415 = arith.constant 16 : i32
        %shift_left3A_416 = vector.broadcast %shift_left3A_415 : i32 to vector<16xi32>
        %shift_left3A_417 = arith.shli %gather3A_410, %shift_left3A_416 : vector<16xi32>
        %bitcast_convert_type3A_418 = tpu.bitcast %shift_left3A_417 : vector<16xi32> -> vector<16xf32>
        %and3A_419 = arith.constant -65536 : i32
        %and3A_420 = vector.broadcast %and3A_419 : i32 to vector<16xi32>
        %and3A_421 = arith.andi %gather3A_409, %and3A_420 : vector<16xi32>
        %bitcast_convert_type3A_422 = tpu.bitcast %and3A_421 : vector<16xi32> -> vector<16xf32>
        %and3A_423 = arith.constant -65536 : i32
        %and3A_424 = vector.broadcast %and3A_423 : i32 to vector<16xi32>
        %and3A_425 = arith.andi %gather3A_410, %and3A_424 : vector<16xi32>
        %bitcast_convert_type3A_426 = tpu.bitcast %and3A_425 : vector<16xi32> -> vector<16xf32>
        %sub3A_427 = arith.subf %bitcast_convert_type3A_414, %bitcast_convert_type3A_418 : vector<16xf32>
        %sub3A_428 = arith.subf %bitcast_convert_type3A_422, %bitcast_convert_type3A_426 : vector<16xf32>
        %mul3A_429 = arith.mulf %sub3A_427, %sub3A_427 : vector<16xf32>
        %add3A_430 = arith.addf %add3A_406, %mul3A_429 : vector<16xf32>
        %mul3A_431 = arith.mulf %sub3A_428, %sub3A_428 : vector<16xf32>
        %add3A_432 = arith.addf %add3A_430, %mul3A_431 : vector<16xf32>
        %broadcast_in_dim3A_433 = arith.constant 3 : i32
        %broadcast_in_dim3A_434 = vector.broadcast %broadcast_in_dim3A_433 : i32 to vector<16xi32>
        %gather3A_435 = tpu.vector_load_idx %arg10[%add3A_352, %broadcast_in_dim3A_434] : memref<1024x8xi32, #tpu.memory_space<vmem>>[vector<16xi32>, vector<16xi32>], vector<16xi32>,
        %gather3A_436 = tpu.vector_load_idx %arg11[%add3A_352, %broadcast_in_dim3A_434] : memref<1024x8xi32, #tpu.memory_space<vmem>>[vector<16xi32>, vector<16xi32>], vector<16xi32>,
        %shift_left3A_437 = arith.constant 16 : i32
        %shift_left3A_438 = vector.broadcast %shift_left3A_437 : i32 to vector<16xi32>
        %shift_left3A_439 = arith.shli %gather3A_435, %shift_left3A_438 : vector<16xi32>
        %bitcast_convert_type3A_440 = tpu.bitcast %shift_left3A_439 : vector<16xi32> -> vector<16xf32>
        %shift_left3A_441 = arith.constant 16 : i32
        %shift_left3A_442 = vector.broadcast %shift_left3A_441 : i32 to vector<16xi32>
        %shift_left3A_443 = arith.shli %gather3A_436, %shift_left3A_442 : vector<16xi32>
        %bitcast_convert_type3A_444 = tpu.bitcast %shift_left3A_443 : vector<16xi32> -> vector<16xf32>
        %and3A_445 = arith.constant -65536 : i32
        %and3A_446 = vector.broadcast %and3A_445 : i32 to vector<16xi32>
        %and3A_447 = arith.andi %gather3A_435, %and3A_446 : vector<16xi32>
        %bitcast_convert_type3A_448 = tpu.bitcast %and3A_447 : vector<16xi32> -> vector<16xf32>
        %and3A_449 = arith.constant -65536 : i32
        %and3A_450 = vector.broadcast %and3A_449 : i32 to vector<16xi32>
        %and3A_451 = arith.andi %gather3A_436, %and3A_450 : vector<16xi32>
        %bitcast_convert_type3A_452 = tpu.bitcast %and3A_451 : vector<16xi32> -> vector<16xf32>
        %sub3A_453 = arith.subf %bitcast_convert_type3A_440, %bitcast_convert_type3A_444 : vector<16xf32>
        %sub3A_454 = arith.subf %bitcast_convert_type3A_448, %bitcast_convert_type3A_452 : vector<16xf32>
        %mul3A_455 = arith.mulf %sub3A_453, %sub3A_453 : vector<16xf32>
        %add3A_456 = arith.addf %add3A_432, %mul3A_455 : vector<16xf32>
        %mul3A_457 = arith.mulf %sub3A_454, %sub3A_454 : vector<16xf32>
        %add3A_458 = arith.addf %add3A_456, %mul3A_457 : vector<16xf32>
        %broadcast_in_dim3A_459 = arith.constant 4 : i32
        %broadcast_in_dim3A_460 = vector.broadcast %broadcast_in_dim3A_459 : i32 to vector<16xi32>
        %gather3A_461 = tpu.vector_load_idx %arg10[%add3A_352, %broadcast_in_dim3A_460] : memref<1024x8xi32, #tpu.memory_space<vmem>>[vector<16xi32>, vector<16xi32>], vector<16xi32>,
        %gather3A_462 = tpu.vector_load_idx %arg11[%add3A_352, %broadcast_in_dim3A_460] : memref<1024x8xi32, #tpu.memory_space<vmem>>[vector<16xi32>, vector<16xi32>], vector<16xi32>,
        %shift_left3A_463 = arith.constant 16 : i32
        %shift_left3A_464 = vector.broadcast %shift_left3A_463 : i32 to vector<16xi32>
        %shift_left3A_465 = arith.shli %gather3A_461, %shift_left3A_464 : vector<16xi32>
        %bitcast_convert_type3A_466 = tpu.bitcast %shift_left3A_465 : vector<16xi32> -> vector<16xf32>
        %shift_left3A_467 = arith.constant 16 : i32
        %shift_left3A_468 = vector.broadcast %shift_left3A_467 : i32 to vector<16xi32>
        %shift_left3A_469 = arith.shli %gather3A_462, %shift_left3A_468 : vector<16xi32>
        %bitcast_convert_type3A_470 = tpu.bitcast %shift_left3A_469 : vector<16xi32> -> vector<16xf32>
        %and3A_471 = arith.constant -65536 : i32
        %and3A_472 = vector.broadcast %and3A_471 : i32 to vector<16xi32>
        %and3A_473 = arith.andi %gather3A_461, %and3A_472 : vector<16xi32>
        %bitcast_convert_type3A_474 = tpu.bitcast %and3A_473 : vector<16xi32> -> vector<16xf32>
        %and3A_475 = arith.constant -65536 : i32
        %and3A_476 = vector.broadcast %and3A_475 : i32 to vector<16xi32>
        %and3A_477 = arith.andi %gather3A_462, %and3A_476 : vector<16xi32>
        %bitcast_convert_type3A_478 = tpu.bitcast %and3A_477 : vector<16xi32> -> vector<16xf32>
        %sub3A_479 = arith.subf %bitcast_convert_type3A_466, %bitcast_convert_type3A_470 : vector<16xf32>
        %sub3A_480 = arith.subf %bitcast_convert_type3A_474, %bitcast_convert_type3A_478 : vector<16xf32>
        %mul3A_481 = arith.mulf %sub3A_479, %sub3A_479 : vector<16xf32>
        %add3A_482 = arith.addf %add3A_458, %mul3A_481 : vector<16xf32>
        %mul3A_483 = arith.mulf %sub3A_480, %sub3A_480 : vector<16xf32>
        %add3A_484 = arith.addf %add3A_482, %mul3A_483 : vector<16xf32>
        %broadcast_in_dim3A_485 = arith.constant 5 : i32
        %broadcast_in_dim3A_486 = vector.broadcast %broadcast_in_dim3A_485 : i32 to vector<16xi32>
        %gather3A_487 = tpu.vector_load_idx %arg10[%add3A_352, %broadcast_in_dim3A_486] : memref<1024x8xi32, #tpu.memory_space<vmem>>[vector<16xi32>, vector<16xi32>], vector<16xi32>,
        %gather3A_488 = tpu.vector_load_idx %arg11[%add3A_352, %broadcast_in_dim3A_486] : memref<1024x8xi32, #tpu.memory_space<vmem>>[vector<16xi32>, vector<16xi32>], vector<16xi32>,
        %shift_left3A_489 = arith.constant 16 : i32
        %shift_left3A_490 = vector.broadcast %shift_left3A_489 : i32 to vector<16xi32>
        %shift_left3A_491 = arith.shli %gather3A_487, %shift_left3A_490 : vector<16xi32>
        %bitcast_convert_type3A_492 = tpu.bitcast %shift_left3A_491 : vector<16xi32> -> vector<16xf32>
        %shift_left3A_493 = arith.constant 16 : i32
        %shift_left3A_494 = vector.broadcast %shift_left3A_493 : i32 to vector<16xi32>
        %shift_left3A_495 = arith.shli %gather3A_488, %shift_left3A_494 : vector<16xi32>
        %bitcast_convert_type3A_496 = tpu.bitcast %shift_left3A_495 : vector<16xi32> -> vector<16xf32>
        %and3A_497 = arith.constant -65536 : i32
        %and3A_498 = vector.broadcast %and3A_497 : i32 to vector<16xi32>
        %and3A_499 = arith.andi %gather3A_487, %and3A_498 : vector<16xi32>
        %bitcast_convert_type3A_500 = tpu.bitcast %and3A_499 : vector<16xi32> -> vector<16xf32>
        %and3A_501 = arith.constant -65536 : i32
        %and3A_502 = vector.broadcast %and3A_501 : i32 to vector<16xi32>
        %and3A_503 = arith.andi %gather3A_488, %and3A_502 : vector<16xi32>
        %bitcast_convert_type3A_504 = tpu.bitcast %and3A_503 : vector<16xi32> -> vector<16xf32>
        %sub3A_505 = arith.subf %bitcast_convert_type3A_492, %bitcast_convert_type3A_496 : vector<16xf32>
        %sub3A_506 = arith.subf %bitcast_convert_type3A_500, %bitcast_convert_type3A_504 : vector<16xf32>
        %mul3A_507 = arith.mulf %sub3A_505, %sub3A_505 : vector<16xf32>
        %add3A_508 = arith.addf %add3A_484, %mul3A_507 : vector<16xf32>
        %mul3A_509 = arith.mulf %sub3A_506, %sub3A_506 : vector<16xf32>
        %add3A_510 = arith.addf %add3A_508, %mul3A_509 : vector<16xf32>
        %broadcast_in_dim3A_511 = arith.constant 6 : i32
        %broadcast_in_dim3A_512 = vector.broadcast %broadcast_in_dim3A_511 : i32 to vector<16xi32>
        %gather3A_513 = tpu.vector_load_idx %arg10[%add3A_352, %broadcast_in_dim3A_512] : memref<1024x8xi32, #tpu.memory_space<vmem>>[vector<16xi32>, vector<16xi32>], vector<16xi32>,
        %gather3A_514 = tpu.vector_load_idx %arg11[%add3A_352, %broadcast_in_dim3A_512] : memref<1024x8xi32, #tpu.memory_space<vmem>>[vector<16xi32>, vector<16xi32>], vector<16xi32>,
        %shift_left3A_515 = arith.constant 16 : i32
        %shift_left3A_516 = vector.broadcast %shift_left3A_515 : i32 to vector<16xi32>
        %shift_left3A_517 = arith.shli %gather3A_513, %shift_left3A_516 : vector<16xi32>
        %bitcast_convert_type3A_518 = tpu.bitcast %shift_left3A_517 : vector<16xi32> -> vector<16xf32>
        %shift_left3A_519 = arith.constant 16 : i32
        %shift_left3A_520 = vector.broadcast %shift_left3A_519 : i32 to vector<16xi32>
        %shift_left3A_521 = arith.shli %gather3A_514, %shift_left3A_520 : vector<16xi32>
        %bitcast_convert_type3A_522 = tpu.bitcast %shift_left3A_521 : vector<16xi32> -> vector<16xf32>
        %and3A_523 = arith.constant -65536 : i32
        %and3A_524 = vector.broadcast %and3A_523 : i32 to vector<16xi32>
        %and3A_525 = arith.andi %gather3A_513, %and3A_524 : vector<16xi32>
        %bitcast_convert_type3A_526 = tpu.bitcast %and3A_525 : vector<16xi32> -> vector<16xf32>
        %and3A_527 = arith.constant -65536 : i32
        %and3A_528 = vector.broadcast %and3A_527 : i32 to vector<16xi32>
        %and3A_529 = arith.andi %gather3A_514, %and3A_528 : vector<16xi32>
        %bitcast_convert_type3A_530 = tpu.bitcast %and3A_529 : vector<16xi32> -> vector<16xf32>
        %sub3A_531 = arith.subf %bitcast_convert_type3A_518, %bitcast_convert_type3A_522 : vector<16xf32>
        %sub3A_532 = arith.subf %bitcast_convert_type3A_526, %bitcast_convert_type3A_530 : vector<16xf32>
        %mul3A_533 = arith.mulf %sub3A_531, %sub3A_531 : vector<16xf32>
        %add3A_534 = arith.addf %add3A_510, %mul3A_533 : vector<16xf32>
        %mul3A_535 = arith.mulf %sub3A_532, %sub3A_532 : vector<16xf32>
        %add3A_536 = arith.addf %add3A_534, %mul3A_535 : vector<16xf32>
        %broadcast_in_dim3A_537 = arith.constant 7 : i32
        %broadcast_in_dim3A_538 = vector.broadcast %broadcast_in_dim3A_537 : i32 to vector<16xi32>
        %gather3A_539 = tpu.vector_load_idx %arg10[%add3A_352, %broadcast_in_dim3A_538] : memref<1024x8xi32, #tpu.memory_space<vmem>>[vector<16xi32>, vector<16xi32>], vector<16xi32>,
        %gather3A_540 = tpu.vector_load_idx %arg11[%add3A_352, %broadcast_in_dim3A_538] : memref<1024x8xi32, #tpu.memory_space<vmem>>[vector<16xi32>, vector<16xi32>], vector<16xi32>,
        %shift_left3A_541 = arith.constant 16 : i32
        %shift_left3A_542 = vector.broadcast %shift_left3A_541 : i32 to vector<16xi32>
        %shift_left3A_543 = arith.shli %gather3A_539, %shift_left3A_542 : vector<16xi32>
        %bitcast_convert_type3A_544 = tpu.bitcast %shift_left3A_543 : vector<16xi32> -> vector<16xf32>
        %shift_left3A_545 = arith.constant 16 : i32
        %shift_left3A_546 = vector.broadcast %shift_left3A_545 : i32 to vector<16xi32>
        %shift_left3A_547 = arith.shli %gather3A_540, %shift_left3A_546 : vector<16xi32>
        %bitcast_convert_type3A_548 = tpu.bitcast %shift_left3A_547 : vector<16xi32> -> vector<16xf32>
        %and3A_549 = arith.constant -65536 : i32
        %and3A_550 = vector.broadcast %and3A_549 : i32 to vector<16xi32>
        %and3A_551 = arith.andi %gather3A_539, %and3A_550 : vector<16xi32>
        %bitcast_convert_type3A_552 = tpu.bitcast %and3A_551 : vector<16xi32> -> vector<16xf32>
        %and3A_553 = arith.constant -65536 : i32
        %and3A_554 = vector.broadcast %and3A_553 : i32 to vector<16xi32>
        %and3A_555 = arith.andi %gather3A_540, %and3A_554 : vector<16xi32>
        %bitcast_convert_type3A_556 = tpu.bitcast %and3A_555 : vector<16xi32> -> vector<16xf32>
        %sub3A_557 = arith.subf %bitcast_convert_type3A_544, %bitcast_convert_type3A_548 : vector<16xf32>
        %sub3A_558 = arith.subf %bitcast_convert_type3A_552, %bitcast_convert_type3A_556 : vector<16xf32>
        %mul3A_559 = arith.mulf %sub3A_557, %sub3A_557 : vector<16xf32>
        %add3A_560 = arith.addf %add3A_536, %mul3A_559 : vector<16xf32>
        %mul3A_561 = arith.mulf %sub3A_558, %sub3A_558 : vector<16xf32>
        %add3A_562 = arith.addf %add3A_560, %mul3A_561 : vector<16xf32>
        %add3A_563 = arith.constant 9.99999996E-13 : f32
        %add3A_564 = vector.broadcast %add3A_563 : f32 to vector<16xf32>
        %add3A_565 = arith.addf %add3A_562, %add3A_564 : vector<16xf32>
        %bitcast_convert_type3A_566 = tpu.bitcast %add3A_565 : vector<16xf32> -> vector<16xi32>
        %shift_right_arithmetic3A_567 = arith.constant 1 : i32
        %shift_right_arithmetic3A_568 = vector.broadcast %shift_right_arithmetic3A_567 : i32 to vector<16xi32>
        %shift_right_arithmetic3A_569 = arith.shrsi %bitcast_convert_type3A_566, %shift_right_arithmetic3A_568 : vector<16xi32>
        %sub3A_570 = arith.constant 1597463007 : i32
        %sub3A_571 = vector.broadcast %sub3A_570 : i32 to vector<16xi32>
        %sub3A_572 = arith.subi %sub3A_571, %shift_right_arithmetic3A_569 : vector<16xi32>
        %bitcast_convert_type3A_573 = tpu.bitcast %sub3A_572 : vector<16xi32> -> vector<16xf32>
        %mul3A_574 = arith.constant 5.000000e-01 : f32
        %mul3A_575 = vector.broadcast %mul3A_574 : f32 to vector<16xf32>
        %mul3A_576 = arith.mulf %mul3A_575, %add3A_565 : vector<16xf32>
        %mul3A_577 = arith.mulf %mul3A_576, %bitcast_convert_type3A_573 : vector<16xf32>
        %mul3A_578 = arith.mulf %mul3A_577, %bitcast_convert_type3A_573 : vector<16xf32>
        %sub3A_579 = arith.constant 1.500000e+00 : f32
        %sub3A_580 = vector.broadcast %sub3A_579 : f32 to vector<16xf32>
        %sub3A_581 = arith.subf %sub3A_580, %mul3A_578 : vector<16xf32>
        %mul3A_582 = arith.mulf %bitcast_convert_type3A_573, %sub3A_581 : vector<16xf32>
        %mul3A_583 = arith.mulf %mul3A_576, %mul3A_582 : vector<16xf32>
        %mul3A_584 = arith.mulf %mul3A_583, %mul3A_582 : vector<16xf32>
        %sub3A_585 = arith.constant 1.500000e+00 : f32
        %sub3A_586 = vector.broadcast %sub3A_585 : f32 to vector<16xf32>
        %sub3A_587 = arith.subf %sub3A_586, %mul3A_584 : vector<16xf32>
        %mul3A_588 = arith.mulf %mul3A_582, %sub3A_587 : vector<16xf32>
        %mul3A_589 = arith.mulf %add3A_565, %mul3A_588 : vector<16xf32>
        %mul3A_590 = arith.constant 16 : i32
        %mul3A_591 = arith.muli %add3A_347, %mul3A_590 : i32
        %swap3A_592 = arith.index_cast %mul3A_591 : i32 to index
        %swap3A_593 = tpu.vector_load %arg14[%swap3A_592] {strides = array<i32>} : memref<1024xf32, #tpu.memory_space<vmem>>, vector<16xf32>,
        tpu.vector_store %arg14[%swap3A_592], %mul3A_589 {strides = array<i32>} : memref<1024xf32, #tpu.memory_space<vmem>>, vector<16xf32>,
      }
      %scan3A_74 = arith.constant 32 : i32
      %mul3A_75 = arith.constant 32 : i32
      %mul3A_76 = arith.muli %mul3A_39, %mul3A_75 : i32
      %add3A_77 = arith.addi %mul3A_76, %add3A : i32
      %mul3A_78 = arith.constant 1024 : i32
      %mul3A_79 = arith.muli %add3A_77, %mul3A_78 : i32
      %dma_start3A_80 = tpu.memref_slice %arg5[%mul3A_79] : memref<3200000xf32, #tpu.memory_space<hbm>> -> memref<1024xf32, #tpu.memory_space<hbm>>
      %dma_start3A_81 = tpu.memref_slice %arg5[%mul3A_79] : memref<3200000xf32, #tpu.memory_space<hbm>> -> memref<1024xf32, #tpu.memory_space<hbm>>
      tpu.enqueue_dma source(%arg14 : memref<1024xf32, #tpu.memory_space<vmem>>) target(%dma_start3A_81 : memref<1024xf32, #tpu.memory_space<hbm>>) target_semaphore(%arg20 : memref<!tpu.dma_semaphore, #tpu.memory_space<semaphore_mem>>)
      %add3A_82 = arith.constant 2 : i32
      %add3A_83 = arith.addi %mul3A_39, %add3A_82 : i32
      %mul3A_84 = arith.constant 32 : i32
      %mul3A_85 = arith.muli %add3A_83, %mul3A_84 : i32
      %add3A_86 = arith.addi %mul3A_85, %add3A : i32
      %lt3A_87 = arith.constant 3125 : i32
      %lt3A_88 = arith.cmpi slt, %add3A_86, %lt3A_87 : i32
      %convert_element_type3A_89 = arith.extui %lt3A_88 : i1 to i32
      %cond3A_90 = arith.constant 0 : i32
      %cond3A_91 = arith.cmpi ne, %convert_element_type3A_89, %cond3A_90 : i32
      scf.if %cond3A_91 {
        %dma_wait3A_102 = arith.constant 0 : i32
        %dma_wait3A_103 = tpu.memref_slice %arg3[%dma_wait3A_102] : memref<3200000xi32, #tpu.memory_space<hbm>> -> memref<1024xi32, #tpu.memory_space<hbm>>
        %dma_wait3A_104 = arith.constant 0 : i32
        %dma_wait3A_105 = tpu.memref_slice %arg3[%dma_wait3A_104] : memref<3200000xi32, #tpu.memory_space<hbm>> -> memref<1024xi32, #tpu.memory_space<hbm>>
        tpu.wait_dma2 semaphore(%arg16 : memref<!tpu.dma_semaphore, #tpu.memory_space<semaphore_mem>>) src(%dma_wait3A_105 : memref<1024xi32, #tpu.memory_space<hbm>>) dst(%arg6 : memref<1024xi32, #tpu.memory_space<vmem>>)
        %dma_wait3A_106 = arith.constant 0 : i32
        %dma_wait3A_107 = tpu.memref_slice %arg4[%dma_wait3A_106] : memref<3200000xi32, #tpu.memory_space<hbm>> -> memref<1024xi32, #tpu.memory_space<hbm>>
        %dma_wait3A_108 = arith.constant 0 : i32
        %dma_wait3A_109 = tpu.memref_slice %arg4[%dma_wait3A_108] : memref<3200000xi32, #tpu.memory_space<hbm>> -> memref<1024xi32, #tpu.memory_space<hbm>>
        tpu.wait_dma2 semaphore(%arg16 : memref<!tpu.dma_semaphore, #tpu.memory_space<semaphore_mem>>) src(%dma_wait3A_109 : memref<1024xi32, #tpu.memory_space<hbm>>) dst(%arg7 : memref<1024xi32, #tpu.memory_space<vmem>>)
        %dma_start3A_110 = arith.constant 0 : i32
        %dma_start3A_111 = arith.constant 0 : i32
        %dma_start3A_112 = tpu.memref_slice %arg2[%dma_start3A_110, %dma_start3A_111] : memref<100000x8xi32, #tpu.memory_space<hbm>> -> memref<100000x8xi32, #tpu.memory_space<hbm>>
        tpu.enqueue_indirect_dma source(%dma_start3A_112 : memref<100000x8xi32, #tpu.memory_space<hbm>>) target(%arg10 : memref<1024x8xi32, #tpu.memory_space<vmem>>) offsets(%arg6 : memref<1024xi32, #tpu.memory_space<vmem>>) semaphore(%arg18 : memref<!tpu.dma_semaphore, #tpu.memory_space<semaphore_mem>>)
        %dma_start3A_113 = arith.constant 0 : i32
        %dma_start3A_114 = arith.constant 0 : i32
        %dma_start3A_115 = tpu.memref_slice %arg2[%dma_start3A_113, %dma_start3A_114] : memref<100000x8xi32, #tpu.memory_space<hbm>> -> memref<100000x8xi32, #tpu.memory_space<hbm>>
        tpu.enqueue_indirect_dma source(%dma_start3A_115 : memref<100000x8xi32, #tpu.memory_space<hbm>>) target(%arg11 : memref<1024x8xi32, #tpu.memory_space<vmem>>) offsets(%arg7 : memref<1024xi32, #tpu.memory_space<vmem>>) semaphore(%arg18 : memref<!tpu.dma_semaphore, #tpu.memory_space<semaphore_mem>>)
      } else {
      }
      %add3A_92 = arith.constant 1 : i32
      %add3A_93 = arith.addi %mul3A_39, %add3A_92 : i32
      %mul3A_94 = arith.constant 32 : i32
      %mul3A_95 = arith.muli %add3A_93, %mul3A_94 : i32
      %add3A_96 = arith.addi %mul3A_95, %add3A : i32
      %lt3A_97 = arith.constant 3125 : i32
      %lt3A_98 = arith.cmpi slt, %add3A_96, %lt3A_97 : i32
      %convert_element_type3A_99 = arith.extui %lt3A_98 : i1 to i32
      %cond3A_100 = arith.constant 0 : i32
      %cond3A_101 = arith.cmpi ne, %convert_element_type3A_99, %cond3A_100 : i32
      scf.if %cond3A_101 {
        %dma_wait3A_102 = arith.constant 0 : i32
        %dma_wait3A_103 = arith.constant 0 : i32
        %dma_wait3A_104 = tpu.memref_slice %arg2[%dma_wait3A_102, %dma_wait3A_103] : memref<100000x8xi32, #tpu.memory_space<hbm>> -> memref<100000x8xi32, #tpu.memory_space<hbm>>
        tpu.wait_indirect_dma semaphore(%arg19 : memref<!tpu.dma_semaphore, #tpu.memory_space<semaphore_mem>>) src(%dma_wait3A_104 : memref<100000x8xi32, #tpu.memory_space<hbm>>) dst(%arg12 : memref<1024x8xi32, #tpu.memory_space<vmem>>)
        %dma_wait3A_105 = arith.constant 0 : i32
        %dma_wait3A_106 = arith.constant 0 : i32
        %dma_wait3A_107 = tpu.memref_slice %arg2[%dma_wait3A_105, %dma_wait3A_106] : memref<100000x8xi32, #tpu.memory_space<hbm>> -> memref<100000x8xi32, #tpu.memory_space<hbm>>
        tpu.wait_indirect_dma semaphore(%arg19 : memref<!tpu.dma_semaphore, #tpu.memory_space<semaphore_mem>>) src(%dma_wait3A_107 : memref<100000x8xi32, #tpu.memory_space<hbm>>) dst(%arg13 : memref<1024x8xi32, #tpu.memory_space<vmem>>)
        %add3A_108 = arith.constant 3 : i32
        %add3A_109 = arith.addi %mul3A_39, %add3A_108 : i32
        %mul3A_110 = arith.constant 32 : i32
        %mul3A_111 = arith.muli %add3A_109, %mul3A_110 : i32
        %add3A_112 = arith.addi %mul3A_111, %add3A : i32
        %lt3A_113 = arith.constant 3125 : i32
        %lt3A_114 = arith.cmpi slt, %add3A_112, %lt3A_113 : i32
        %convert_element_type3A_115 = arith.extui %lt3A_114 : i1 to i32
        %cond3A_116 = arith.constant 0 : i32
        %cond3A_117 = arith.cmpi ne, %convert_element_type3A_115, %cond3A_116 : i32
        scf.if %cond3A_117 {
          %add3A_137 = arith.constant 3 : i32
          %add3A_138 = arith.addi %mul3A_39, %add3A_137 : i32
          %mul3A_139 = arith.constant 32 : i32
          %mul3A_140 = arith.muli %add3A_138, %mul3A_139 : i32
          %add3A_141 = arith.addi %mul3A_140, %add3A : i32
          %mul3A_142 = arith.constant 1024 : i32
          %mul3A_143 = arith.muli %add3A_141, %mul3A_142 : i32
          %dma_start3A_144 = tpu.memref_slice %arg3[%mul3A_143] : memref<3200000xi32, #tpu.memory_space<hbm>> -> memref<1024xi32, #tpu.memory_space<hbm>>
          %dma_start3A_145 = tpu.memref_slice %arg3[%mul3A_143] : memref<3200000xi32, #tpu.memory_space<hbm>> -> memref<1024xi32, #tpu.memory_space<hbm>>
          tpu.enqueue_dma source(%dma_start3A_145 : memref<1024xi32, #tpu.memory_space<hbm>>) target(%arg8 : memref<1024xi32, #tpu.memory_space<vmem>>) target_semaphore(%arg17 : memref<!tpu.dma_semaphore, #tpu.memory_space<semaphore_mem>>)
          %dma_start3A_146 = tpu.memref_slice %arg4[%mul3A_143] : memref<3200000xi32, #tpu.memory_space<hbm>> -> memref<1024xi32, #tpu.memory_space<hbm>>
          %dma_start3A_147 = tpu.memref_slice %arg4[%mul3A_143] : memref<3200000xi32, #tpu.memory_space<hbm>> -> memref<1024xi32, #tpu.memory_space<hbm>>
          tpu.enqueue_dma source(%dma_start3A_147 : memref<1024xi32, #tpu.memory_space<hbm>>) target(%arg9 : memref<1024xi32, #tpu.memory_space<vmem>>) target_semaphore(%arg17 : memref<!tpu.dma_semaphore, #tpu.memory_space<semaphore_mem>>)
        } else {
        }
        %gt3A_118 = arith.constant 0 : i32
        %gt3A_119 = arith.cmpi sgt, %scan3A_37, %gt3A_118 : i32
        %convert_element_type3A_120 = arith.extui %gt3A_119 : i1 to i32
        %cond3A_121 = arith.constant 0 : i32
        %cond3A_122 = arith.cmpi ne, %convert_element_type3A_120, %cond3A_121 : i32
        scf.if %cond3A_122 {
          %dma_wait3A_137 = arith.constant 0 : i32
          %dma_wait3A_138 = tpu.memref_slice %arg5[%dma_wait3A_137] : memref<3200000xf32, #tpu.memory_space<hbm>> -> memref<1024xf32, #tpu.memory_space<hbm>>
          %dma_wait3A_139 = arith.constant 0 : i32
          %dma_wait3A_140 = tpu.memref_slice %arg5[%dma_wait3A_139] : memref<3200000xf32, #tpu.memory_space<hbm>> -> memref<1024xf32, #tpu.memory_space<hbm>>
          tpu.wait_dma2 semaphore(%arg21 : memref<!tpu.dma_semaphore, #tpu.memory_space<semaphore_mem>>) src(%arg15 : memref<1024xf32, #tpu.memory_space<vmem>>) dst(%dma_wait3A_140 : memref<1024xf32, #tpu.memory_space<hbm>>)
        } else {
        }
        %add3A_123 = arith.constant 1 : i32
        %add3A_124 = arith.addi %mul3A_39, %add3A_123 : i32
        %scan3A_125 = arith.constant 0 : i32
        %scan3A_126 = arith.constant 32 : i32
        %scan3A_127 = arith.addi %scan3A_125, %scan3A_126 : i32
        %scan3A_128 = arith.constant 1 : i32
        scf.for %scan3A_137 = %scan3A_125 to %scan3A_127 step %scan3A_128  : i32 {
          %mul3A_138 = arith.constant 2 : i32
          %mul3A_139 = arith.muli %scan3A_137, %mul3A_138 : i32
          %add3A_140 = arith.constant 0 : i32
          %add3A_141 = arith.addi %mul3A_139, %add3A_140 : i32
          %mul3A_142 = arith.constant 16 : i32
          %mul3A_143 = arith.muli %add3A_141, %mul3A_142 : i32
          %iota3A = tpu.iota {dimensions = array<i32: 0>} : vector<16xi32>
          %add3A_144 = vector.broadcast %mul3A_143 : i32 to vector<16xi32>
          %add3A_145 = arith.addi %add3A_144, %iota3A : vector<16xi32>
          %broadcast_in_dim3A = arith.constant 0.000000e+00 : f32
          %broadcast_in_dim3A_146 = vector.broadcast %broadcast_in_dim3A : f32 to vector<16xf32>
          %broadcast_in_dim3A_147 = arith.constant 0 : i32
          %broadcast_in_dim3A_148 = vector.broadcast %broadcast_in_dim3A_147 : i32 to vector<16xi32>
          %gather3A = tpu.vector_load_idx %arg12[%add3A_145, %broadcast_in_dim3A_148] : memref<1024x8xi32, #tpu.memory_space<vmem>>[vector<16xi32>, vector<16xi32>], vector<16xi32>,
          %gather3A_149 = tpu.vector_load_idx %arg13[%add3A_145, %broadcast_in_dim3A_148] : memref<1024x8xi32, #tpu.memory_space<vmem>>[vector<16xi32>, vector<16xi32>], vector<16xi32>,
          %shift_left3A = arith.constant 16 : i32
          %shift_left3A_150 = vector.broadcast %shift_left3A : i32 to vector<16xi32>
          %shift_left3A_151 = arith.shli %gather3A, %shift_left3A_150 : vector<16xi32>
          %bitcast_convert_type3A = tpu.bitcast %shift_left3A_151 : vector<16xi32> -> vector<16xf32>
          %shift_left3A_152 = arith.constant 16 : i32
          %shift_left3A_153 = vector.broadcast %shift_left3A_152 : i32 to vector<16xi32>
          %shift_left3A_154 = arith.shli %gather3A_149, %shift_left3A_153 : vector<16xi32>
          %bitcast_convert_type3A_155 = tpu.bitcast %shift_left3A_154 : vector<16xi32> -> vector<16xf32>
          %and3A = arith.constant -65536 : i32
          %and3A_156 = vector.broadcast %and3A : i32 to vector<16xi32>
          %and3A_157 = arith.andi %gather3A, %and3A_156 : vector<16xi32>
          %bitcast_convert_type3A_158 = tpu.bitcast %and3A_157 : vector<16xi32> -> vector<16xf32>
          %and3A_159 = arith.constant -65536 : i32
          %and3A_160 = vector.broadcast %and3A_159 : i32 to vector<16xi32>
          %and3A_161 = arith.andi %gather3A_149, %and3A_160 : vector<16xi32>
          %bitcast_convert_type3A_162 = tpu.bitcast %and3A_161 : vector<16xi32> -> vector<16xf32>
          %sub3A = arith.subf %bitcast_convert_type3A, %bitcast_convert_type3A_155 : vector<16xf32>
          %sub3A_163 = arith.subf %bitcast_convert_type3A_158, %bitcast_convert_type3A_162 : vector<16xf32>
          %mul3A_164 = arith.mulf %sub3A, %sub3A : vector<16xf32>
          %add3A_165 = arith.addf %broadcast_in_dim3A_146, %mul3A_164 : vector<16xf32>
          %mul3A_166 = arith.mulf %sub3A_163, %sub3A_163 : vector<16xf32>
          %add3A_167 = arith.addf %add3A_165, %mul3A_166 : vector<16xf32>
          %broadcast_in_dim3A_168 = arith.constant 1 : i32
          %broadcast_in_dim3A_169 = vector.broadcast %broadcast_in_dim3A_168 : i32 to vector<16xi32>
          %gather3A_170 = tpu.vector_load_idx %arg12[%add3A_145, %broadcast_in_dim3A_169] : memref<1024x8xi32, #tpu.memory_space<vmem>>[vector<16xi32>, vector<16xi32>], vector<16xi32>,
          %gather3A_171 = tpu.vector_load_idx %arg13[%add3A_145, %broadcast_in_dim3A_169] : memref<1024x8xi32, #tpu.memory_space<vmem>>[vector<16xi32>, vector<16xi32>], vector<16xi32>,
          %shift_left3A_172 = arith.constant 16 : i32
          %shift_left3A_173 = vector.broadcast %shift_left3A_172 : i32 to vector<16xi32>
          %shift_left3A_174 = arith.shli %gather3A_170, %shift_left3A_173 : vector<16xi32>
          %bitcast_convert_type3A_175 = tpu.bitcast %shift_left3A_174 : vector<16xi32> -> vector<16xf32>
          %shift_left3A_176 = arith.constant 16 : i32
          %shift_left3A_177 = vector.broadcast %shift_left3A_176 : i32 to vector<16xi32>
          %shift_left3A_178 = arith.shli %gather3A_171, %shift_left3A_177 : vector<16xi32>
          %bitcast_convert_type3A_179 = tpu.bitcast %shift_left3A_178 : vector<16xi32> -> vector<16xf32>
          %and3A_180 = arith.constant -65536 : i32
          %and3A_181 = vector.broadcast %and3A_180 : i32 to vector<16xi32>
          %and3A_182 = arith.andi %gather3A_170, %and3A_181 : vector<16xi32>
          %bitcast_convert_type3A_183 = tpu.bitcast %and3A_182 : vector<16xi32> -> vector<16xf32>
          %and3A_184 = arith.constant -65536 : i32
          %and3A_185 = vector.broadcast %and3A_184 : i32 to vector<16xi32>
          %and3A_186 = arith.andi %gather3A_171, %and3A_185 : vector<16xi32>
          %bitcast_convert_type3A_187 = tpu.bitcast %and3A_186 : vector<16xi32> -> vector<16xf32>
          %sub3A_188 = arith.subf %bitcast_convert_type3A_175, %bitcast_convert_type3A_179 : vector<16xf32>
          %sub3A_189 = arith.subf %bitcast_convert_type3A_183, %bitcast_convert_type3A_187 : vector<16xf32>
          %mul3A_190 = arith.mulf %sub3A_188, %sub3A_188 : vector<16xf32>
          %add3A_191 = arith.addf %add3A_167, %mul3A_190 : vector<16xf32>
          %mul3A_192 = arith.mulf %sub3A_189, %sub3A_189 : vector<16xf32>
          %add3A_193 = arith.addf %add3A_191, %mul3A_192 : vector<16xf32>
          %broadcast_in_dim3A_194 = arith.constant 2 : i32
          %broadcast_in_dim3A_195 = vector.broadcast %broadcast_in_dim3A_194 : i32 to vector<16xi32>
          %gather3A_196 = tpu.vector_load_idx %arg12[%add3A_145, %broadcast_in_dim3A_195] : memref<1024x8xi32, #tpu.memory_space<vmem>>[vector<16xi32>, vector<16xi32>], vector<16xi32>,
          %gather3A_197 = tpu.vector_load_idx %arg13[%add3A_145, %broadcast_in_dim3A_195] : memref<1024x8xi32, #tpu.memory_space<vmem>>[vector<16xi32>, vector<16xi32>], vector<16xi32>,
          %shift_left3A_198 = arith.constant 16 : i32
          %shift_left3A_199 = vector.broadcast %shift_left3A_198 : i32 to vector<16xi32>
          %shift_left3A_200 = arith.shli %gather3A_196, %shift_left3A_199 : vector<16xi32>
          %bitcast_convert_type3A_201 = tpu.bitcast %shift_left3A_200 : vector<16xi32> -> vector<16xf32>
          %shift_left3A_202 = arith.constant 16 : i32
          %shift_left3A_203 = vector.broadcast %shift_left3A_202 : i32 to vector<16xi32>
          %shift_left3A_204 = arith.shli %gather3A_197, %shift_left3A_203 : vector<16xi32>
          %bitcast_convert_type3A_205 = tpu.bitcast %shift_left3A_204 : vector<16xi32> -> vector<16xf32>
          %and3A_206 = arith.constant -65536 : i32
          %and3A_207 = vector.broadcast %and3A_206 : i32 to vector<16xi32>
          %and3A_208 = arith.andi %gather3A_196, %and3A_207 : vector<16xi32>
          %bitcast_convert_type3A_209 = tpu.bitcast %and3A_208 : vector<16xi32> -> vector<16xf32>
          %and3A_210 = arith.constant -65536 : i32
          %and3A_211 = vector.broadcast %and3A_210 : i32 to vector<16xi32>
          %and3A_212 = arith.andi %gather3A_197, %and3A_211 : vector<16xi32>
          %bitcast_convert_type3A_213 = tpu.bitcast %and3A_212 : vector<16xi32> -> vector<16xf32>
          %sub3A_214 = arith.subf %bitcast_convert_type3A_201, %bitcast_convert_type3A_205 : vector<16xf32>
          %sub3A_215 = arith.subf %bitcast_convert_type3A_209, %bitcast_convert_type3A_213 : vector<16xf32>
          %mul3A_216 = arith.mulf %sub3A_214, %sub3A_214 : vector<16xf32>
          %add3A_217 = arith.addf %add3A_193, %mul3A_216 : vector<16xf32>
          %mul3A_218 = arith.mulf %sub3A_215, %sub3A_215 : vector<16xf32>
          %add3A_219 = arith.addf %add3A_217, %mul3A_218 : vector<16xf32>
          %broadcast_in_dim3A_220 = arith.constant 3 : i32
          %broadcast_in_dim3A_221 = vector.broadcast %broadcast_in_dim3A_220 : i32 to vector<16xi32>
          %gather3A_222 = tpu.vector_load_idx %arg12[%add3A_145, %broadcast_in_dim3A_221] : memref<1024x8xi32, #tpu.memory_space<vmem>>[vector<16xi32>, vector<16xi32>], vector<16xi32>,
          %gather3A_223 = tpu.vector_load_idx %arg13[%add3A_145, %broadcast_in_dim3A_221] : memref<1024x8xi32, #tpu.memory_space<vmem>>[vector<16xi32>, vector<16xi32>], vector<16xi32>,
          %shift_left3A_224 = arith.constant 16 : i32
          %shift_left3A_225 = vector.broadcast %shift_left3A_224 : i32 to vector<16xi32>
          %shift_left3A_226 = arith.shli %gather3A_222, %shift_left3A_225 : vector<16xi32>
          %bitcast_convert_type3A_227 = tpu.bitcast %shift_left3A_226 : vector<16xi32> -> vector<16xf32>
          %shift_left3A_228 = arith.constant 16 : i32
          %shift_left3A_229 = vector.broadcast %shift_left3A_228 : i32 to vector<16xi32>
          %shift_left3A_230 = arith.shli %gather3A_223, %shift_left3A_229 : vector<16xi32>
          %bitcast_convert_type3A_231 = tpu.bitcast %shift_left3A_230 : vector<16xi32> -> vector<16xf32>
          %and3A_232 = arith.constant -65536 : i32
          %and3A_233 = vector.broadcast %and3A_232 : i32 to vector<16xi32>
          %and3A_234 = arith.andi %gather3A_222, %and3A_233 : vector<16xi32>
          %bitcast_convert_type3A_235 = tpu.bitcast %and3A_234 : vector<16xi32> -> vector<16xf32>
          %and3A_236 = arith.constant -65536 : i32
          %and3A_237 = vector.broadcast %and3A_236 : i32 to vector<16xi32>
          %and3A_238 = arith.andi %gather3A_223, %and3A_237 : vector<16xi32>
          %bitcast_convert_type3A_239 = tpu.bitcast %and3A_238 : vector<16xi32> -> vector<16xf32>
          %sub3A_240 = arith.subf %bitcast_convert_type3A_227, %bitcast_convert_type3A_231 : vector<16xf32>
          %sub3A_241 = arith.subf %bitcast_convert_type3A_235, %bitcast_convert_type3A_239 : vector<16xf32>
          %mul3A_242 = arith.mulf %sub3A_240, %sub3A_240 : vector<16xf32>
          %add3A_243 = arith.addf %add3A_219, %mul3A_242 : vector<16xf32>
          %mul3A_244 = arith.mulf %sub3A_241, %sub3A_241 : vector<16xf32>
          %add3A_245 = arith.addf %add3A_243, %mul3A_244 : vector<16xf32>
          %broadcast_in_dim3A_246 = arith.constant 4 : i32
          %broadcast_in_dim3A_247 = vector.broadcast %broadcast_in_dim3A_246 : i32 to vector<16xi32>
          %gather3A_248 = tpu.vector_load_idx %arg12[%add3A_145, %broadcast_in_dim3A_247] : memref<1024x8xi32, #tpu.memory_space<vmem>>[vector<16xi32>, vector<16xi32>], vector<16xi32>,
          %gather3A_249 = tpu.vector_load_idx %arg13[%add3A_145, %broadcast_in_dim3A_247] : memref<1024x8xi32, #tpu.memory_space<vmem>>[vector<16xi32>, vector<16xi32>], vector<16xi32>,
          %shift_left3A_250 = arith.constant 16 : i32
          %shift_left3A_251 = vector.broadcast %shift_left3A_250 : i32 to vector<16xi32>
          %shift_left3A_252 = arith.shli %gather3A_248, %shift_left3A_251 : vector<16xi32>
          %bitcast_convert_type3A_253 = tpu.bitcast %shift_left3A_252 : vector<16xi32> -> vector<16xf32>
          %shift_left3A_254 = arith.constant 16 : i32
          %shift_left3A_255 = vector.broadcast %shift_left3A_254 : i32 to vector<16xi32>
          %shift_left3A_256 = arith.shli %gather3A_249, %shift_left3A_255 : vector<16xi32>
          %bitcast_convert_type3A_257 = tpu.bitcast %shift_left3A_256 : vector<16xi32> -> vector<16xf32>
          %and3A_258 = arith.constant -65536 : i32
          %and3A_259 = vector.broadcast %and3A_258 : i32 to vector<16xi32>
          %and3A_260 = arith.andi %gather3A_248, %and3A_259 : vector<16xi32>
          %bitcast_convert_type3A_261 = tpu.bitcast %and3A_260 : vector<16xi32> -> vector<16xf32>
          %and3A_262 = arith.constant -65536 : i32
          %and3A_263 = vector.broadcast %and3A_262 : i32 to vector<16xi32>
          %and3A_264 = arith.andi %gather3A_249, %and3A_263 : vector<16xi32>
          %bitcast_convert_type3A_265 = tpu.bitcast %and3A_264 : vector<16xi32> -> vector<16xf32>
          %sub3A_266 = arith.subf %bitcast_convert_type3A_253, %bitcast_convert_type3A_257 : vector<16xf32>
          %sub3A_267 = arith.subf %bitcast_convert_type3A_261, %bitcast_convert_type3A_265 : vector<16xf32>
          %mul3A_268 = arith.mulf %sub3A_266, %sub3A_266 : vector<16xf32>
          %add3A_269 = arith.addf %add3A_245, %mul3A_268 : vector<16xf32>
          %mul3A_270 = arith.mulf %sub3A_267, %sub3A_267 : vector<16xf32>
          %add3A_271 = arith.addf %add3A_269, %mul3A_270 : vector<16xf32>
          %broadcast_in_dim3A_272 = arith.constant 5 : i32
          %broadcast_in_dim3A_273 = vector.broadcast %broadcast_in_dim3A_272 : i32 to vector<16xi32>
          %gather3A_274 = tpu.vector_load_idx %arg12[%add3A_145, %broadcast_in_dim3A_273] : memref<1024x8xi32, #tpu.memory_space<vmem>>[vector<16xi32>, vector<16xi32>], vector<16xi32>,
          %gather3A_275 = tpu.vector_load_idx %arg13[%add3A_145, %broadcast_in_dim3A_273] : memref<1024x8xi32, #tpu.memory_space<vmem>>[vector<16xi32>, vector<16xi32>], vector<16xi32>,
          %shift_left3A_276 = arith.constant 16 : i32
          %shift_left3A_277 = vector.broadcast %shift_left3A_276 : i32 to vector<16xi32>
          %shift_left3A_278 = arith.shli %gather3A_274, %shift_left3A_277 : vector<16xi32>
          %bitcast_convert_type3A_279 = tpu.bitcast %shift_left3A_278 : vector<16xi32> -> vector<16xf32>
          %shift_left3A_280 = arith.constant 16 : i32
          %shift_left3A_281 = vector.broadcast %shift_left3A_280 : i32 to vector<16xi32>
          %shift_left3A_282 = arith.shli %gather3A_275, %shift_left3A_281 : vector<16xi32>
          %bitcast_convert_type3A_283 = tpu.bitcast %shift_left3A_282 : vector<16xi32> -> vector<16xf32>
          %and3A_284 = arith.constant -65536 : i32
          %and3A_285 = vector.broadcast %and3A_284 : i32 to vector<16xi32>
          %and3A_286 = arith.andi %gather3A_274, %and3A_285 : vector<16xi32>
          %bitcast_convert_type3A_287 = tpu.bitcast %and3A_286 : vector<16xi32> -> vector<16xf32>
          %and3A_288 = arith.constant -65536 : i32
          %and3A_289 = vector.broadcast %and3A_288 : i32 to vector<16xi32>
          %and3A_290 = arith.andi %gather3A_275, %and3A_289 : vector<16xi32>
          %bitcast_convert_type3A_291 = tpu.bitcast %and3A_290 : vector<16xi32> -> vector<16xf32>
          %sub3A_292 = arith.subf %bitcast_convert_type3A_279, %bitcast_convert_type3A_283 : vector<16xf32>
          %sub3A_293 = arith.subf %bitcast_convert_type3A_287, %bitcast_convert_type3A_291 : vector<16xf32>
          %mul3A_294 = arith.mulf %sub3A_292, %sub3A_292 : vector<16xf32>
          %add3A_295 = arith.addf %add3A_271, %mul3A_294 : vector<16xf32>
          %mul3A_296 = arith.mulf %sub3A_293, %sub3A_293 : vector<16xf32>
          %add3A_297 = arith.addf %add3A_295, %mul3A_296 : vector<16xf32>
          %broadcast_in_dim3A_298 = arith.constant 6 : i32
          %broadcast_in_dim3A_299 = vector.broadcast %broadcast_in_dim3A_298 : i32 to vector<16xi32>
          %gather3A_300 = tpu.vector_load_idx %arg12[%add3A_145, %broadcast_in_dim3A_299] : memref<1024x8xi32, #tpu.memory_space<vmem>>[vector<16xi32>, vector<16xi32>], vector<16xi32>,
          %gather3A_301 = tpu.vector_load_idx %arg13[%add3A_145, %broadcast_in_dim3A_299] : memref<1024x8xi32, #tpu.memory_space<vmem>>[vector<16xi32>, vector<16xi32>], vector<16xi32>,
          %shift_left3A_302 = arith.constant 16 : i32
          %shift_left3A_303 = vector.broadcast %shift_left3A_302 : i32 to vector<16xi32>
          %shift_left3A_304 = arith.shli %gather3A_300, %shift_left3A_303 : vector<16xi32>
          %bitcast_convert_type3A_305 = tpu.bitcast %shift_left3A_304 : vector<16xi32> -> vector<16xf32>
          %shift_left3A_306 = arith.constant 16 : i32
          %shift_left3A_307 = vector.broadcast %shift_left3A_306 : i32 to vector<16xi32>
          %shift_left3A_308 = arith.shli %gather3A_301, %shift_left3A_307 : vector<16xi32>
          %bitcast_convert_type3A_309 = tpu.bitcast %shift_left3A_308 : vector<16xi32> -> vector<16xf32>
          %and3A_310 = arith.constant -65536 : i32
          %and3A_311 = vector.broadcast %and3A_310 : i32 to vector<16xi32>
          %and3A_312 = arith.andi %gather3A_300, %and3A_311 : vector<16xi32>
          %bitcast_convert_type3A_313 = tpu.bitcast %and3A_312 : vector<16xi32> -> vector<16xf32>
          %and3A_314 = arith.constant -65536 : i32
          %and3A_315 = vector.broadcast %and3A_314 : i32 to vector<16xi32>
          %and3A_316 = arith.andi %gather3A_301, %and3A_315 : vector<16xi32>
          %bitcast_convert_type3A_317 = tpu.bitcast %and3A_316 : vector<16xi32> -> vector<16xf32>
          %sub3A_318 = arith.subf %bitcast_convert_type3A_305, %bitcast_convert_type3A_309 : vector<16xf32>
          %sub3A_319 = arith.subf %bitcast_convert_type3A_313, %bitcast_convert_type3A_317 : vector<16xf32>
          %mul3A_320 = arith.mulf %sub3A_318, %sub3A_318 : vector<16xf32>
          %add3A_321 = arith.addf %add3A_297, %mul3A_320 : vector<16xf32>
          %mul3A_322 = arith.mulf %sub3A_319, %sub3A_319 : vector<16xf32>
          %add3A_323 = arith.addf %add3A_321, %mul3A_322 : vector<16xf32>
          %broadcast_in_dim3A_324 = arith.constant 7 : i32
          %broadcast_in_dim3A_325 = vector.broadcast %broadcast_in_dim3A_324 : i32 to vector<16xi32>
          %gather3A_326 = tpu.vector_load_idx %arg12[%add3A_145, %broadcast_in_dim3A_325] : memref<1024x8xi32, #tpu.memory_space<vmem>>[vector<16xi32>, vector<16xi32>], vector<16xi32>,
          %gather3A_327 = tpu.vector_load_idx %arg13[%add3A_145, %broadcast_in_dim3A_325] : memref<1024x8xi32, #tpu.memory_space<vmem>>[vector<16xi32>, vector<16xi32>], vector<16xi32>,
          %shift_left3A_328 = arith.constant 16 : i32
          %shift_left3A_329 = vector.broadcast %shift_left3A_328 : i32 to vector<16xi32>
          %shift_left3A_330 = arith.shli %gather3A_326, %shift_left3A_329 : vector<16xi32>
          %bitcast_convert_type3A_331 = tpu.bitcast %shift_left3A_330 : vector<16xi32> -> vector<16xf32>
          %shift_left3A_332 = arith.constant 16 : i32
          %shift_left3A_333 = vector.broadcast %shift_left3A_332 : i32 to vector<16xi32>
          %shift_left3A_334 = arith.shli %gather3A_327, %shift_left3A_333 : vector<16xi32>
          %bitcast_convert_type3A_335 = tpu.bitcast %shift_left3A_334 : vector<16xi32> -> vector<16xf32>
          %and3A_336 = arith.constant -65536 : i32
          %and3A_337 = vector.broadcast %and3A_336 : i32 to vector<16xi32>
          %and3A_338 = arith.andi %gather3A_326, %and3A_337 : vector<16xi32>
          %bitcast_convert_type3A_339 = tpu.bitcast %and3A_338 : vector<16xi32> -> vector<16xf32>
          %and3A_340 = arith.constant -65536 : i32
          %and3A_341 = vector.broadcast %and3A_340 : i32 to vector<16xi32>
          %and3A_342 = arith.andi %gather3A_327, %and3A_341 : vector<16xi32>
          %bitcast_convert_type3A_343 = tpu.bitcast %and3A_342 : vector<16xi32> -> vector<16xf32>
          %sub3A_344 = arith.subf %bitcast_convert_type3A_331, %bitcast_convert_type3A_335 : vector<16xf32>
          %sub3A_345 = arith.subf %bitcast_convert_type3A_339, %bitcast_convert_type3A_343 : vector<16xf32>
          %mul3A_346 = arith.mulf %sub3A_344, %sub3A_344 : vector<16xf32>
          %add3A_347 = arith.addf %add3A_323, %mul3A_346 : vector<16xf32>
          %mul3A_348 = arith.mulf %sub3A_345, %sub3A_345 : vector<16xf32>
          %add3A_349 = arith.addf %add3A_347, %mul3A_348 : vector<16xf32>
          %add3A_350 = arith.constant 9.99999996E-13 : f32
          %add3A_351 = vector.broadcast %add3A_350 : f32 to vector<16xf32>
          %add3A_352 = arith.addf %add3A_349, %add3A_351 : vector<16xf32>
          %bitcast_convert_type3A_353 = tpu.bitcast %add3A_352 : vector<16xf32> -> vector<16xi32>
          %shift_right_arithmetic3A = arith.constant 1 : i32
          %shift_right_arithmetic3A_354 = vector.broadcast %shift_right_arithmetic3A : i32 to vector<16xi32>
          %shift_right_arithmetic3A_355 = arith.shrsi %bitcast_convert_type3A_353, %shift_right_arithmetic3A_354 : vector<16xi32>
          %sub3A_356 = arith.constant 1597463007 : i32
          %sub3A_357 = vector.broadcast %sub3A_356 : i32 to vector<16xi32>
          %sub3A_358 = arith.subi %sub3A_357, %shift_right_arithmetic3A_355 : vector<16xi32>
          %bitcast_convert_type3A_359 = tpu.bitcast %sub3A_358 : vector<16xi32> -> vector<16xf32>
          %mul3A_360 = arith.constant 5.000000e-01 : f32
          %mul3A_361 = vector.broadcast %mul3A_360 : f32 to vector<16xf32>
          %mul3A_362 = arith.mulf %mul3A_361, %add3A_352 : vector<16xf32>
          %mul3A_363 = arith.mulf %mul3A_362, %bitcast_convert_type3A_359 : vector<16xf32>
          %mul3A_364 = arith.mulf %mul3A_363, %bitcast_convert_type3A_359 : vector<16xf32>
          %sub3A_365 = arith.constant 1.500000e+00 : f32
          %sub3A_366 = vector.broadcast %sub3A_365 : f32 to vector<16xf32>
          %sub3A_367 = arith.subf %sub3A_366, %mul3A_364 : vector<16xf32>
          %mul3A_368 = arith.mulf %bitcast_convert_type3A_359, %sub3A_367 : vector<16xf32>
          %mul3A_369 = arith.mulf %mul3A_362, %mul3A_368 : vector<16xf32>
          %mul3A_370 = arith.mulf %mul3A_369, %mul3A_368 : vector<16xf32>
          %sub3A_371 = arith.constant 1.500000e+00 : f32
          %sub3A_372 = vector.broadcast %sub3A_371 : f32 to vector<16xf32>
          %sub3A_373 = arith.subf %sub3A_372, %mul3A_370 : vector<16xf32>
          %mul3A_374 = arith.mulf %mul3A_368, %sub3A_373 : vector<16xf32>
          %mul3A_375 = arith.mulf %add3A_352, %mul3A_374 : vector<16xf32>
          %mul3A_376 = arith.constant 16 : i32
          %mul3A_377 = arith.muli %add3A_141, %mul3A_376 : i32
          %swap3A = arith.index_cast %mul3A_377 : i32 to index
          %swap3A_378 = tpu.vector_load %arg15[%swap3A] {strides = array<i32>} : memref<1024xf32, #tpu.memory_space<vmem>>, vector<16xf32>,
          tpu.vector_store %arg15[%swap3A], %mul3A_375 {strides = array<i32>} : memref<1024xf32, #tpu.memory_space<vmem>>, vector<16xf32>,
          %mul3A_379 = arith.constant 2 : i32
          %mul3A_380 = arith.muli %scan3A_137, %mul3A_379 : i32
          %add3A_381 = arith.constant 1 : i32
          %add3A_382 = arith.addi %mul3A_380, %add3A_381 : i32
          %mul3A_383 = arith.constant 16 : i32
          %mul3A_384 = arith.muli %add3A_382, %mul3A_383 : i32
          %iota3A_385 = tpu.iota {dimensions = array<i32: 0>} : vector<16xi32>
          %add3A_386 = vector.broadcast %mul3A_384 : i32 to vector<16xi32>
          %add3A_387 = arith.addi %add3A_386, %iota3A_385 : vector<16xi32>
          %broadcast_in_dim3A_388 = arith.constant 0.000000e+00 : f32
          %broadcast_in_dim3A_389 = vector.broadcast %broadcast_in_dim3A_388 : f32 to vector<16xf32>
          %broadcast_in_dim3A_390 = arith.constant 0 : i32
          %broadcast_in_dim3A_391 = vector.broadcast %broadcast_in_dim3A_390 : i32 to vector<16xi32>
          %gather3A_392 = tpu.vector_load_idx %arg12[%add3A_387, %broadcast_in_dim3A_391] : memref<1024x8xi32, #tpu.memory_space<vmem>>[vector<16xi32>, vector<16xi32>], vector<16xi32>,
          %gather3A_393 = tpu.vector_load_idx %arg13[%add3A_387, %broadcast_in_dim3A_391] : memref<1024x8xi32, #tpu.memory_space<vmem>>[vector<16xi32>, vector<16xi32>], vector<16xi32>,
          %shift_left3A_394 = arith.constant 16 : i32
          %shift_left3A_395 = vector.broadcast %shift_left3A_394 : i32 to vector<16xi32>
          %shift_left3A_396 = arith.shli %gather3A_392, %shift_left3A_395 : vector<16xi32>
          %bitcast_convert_type3A_397 = tpu.bitcast %shift_left3A_396 : vector<16xi32> -> vector<16xf32>
          %shift_left3A_398 = arith.constant 16 : i32
          %shift_left3A_399 = vector.broadcast %shift_left3A_398 : i32 to vector<16xi32>
          %shift_left3A_400 = arith.shli %gather3A_393, %shift_left3A_399 : vector<16xi32>
          %bitcast_convert_type3A_401 = tpu.bitcast %shift_left3A_400 : vector<16xi32> -> vector<16xf32>
          %and3A_402 = arith.constant -65536 : i32
          %and3A_403 = vector.broadcast %and3A_402 : i32 to vector<16xi32>
          %and3A_404 = arith.andi %gather3A_392, %and3A_403 : vector<16xi32>
          %bitcast_convert_type3A_405 = tpu.bitcast %and3A_404 : vector<16xi32> -> vector<16xf32>
          %and3A_406 = arith.constant -65536 : i32
          %and3A_407 = vector.broadcast %and3A_406 : i32 to vector<16xi32>
          %and3A_408 = arith.andi %gather3A_393, %and3A_407 : vector<16xi32>
          %bitcast_convert_type3A_409 = tpu.bitcast %and3A_408 : vector<16xi32> -> vector<16xf32>
          %sub3A_410 = arith.subf %bitcast_convert_type3A_397, %bitcast_convert_type3A_401 : vector<16xf32>
          %sub3A_411 = arith.subf %bitcast_convert_type3A_405, %bitcast_convert_type3A_409 : vector<16xf32>
          %mul3A_412 = arith.mulf %sub3A_410, %sub3A_410 : vector<16xf32>
          %add3A_413 = arith.addf %broadcast_in_dim3A_389, %mul3A_412 : vector<16xf32>
          %mul3A_414 = arith.mulf %sub3A_411, %sub3A_411 : vector<16xf32>
          %add3A_415 = arith.addf %add3A_413, %mul3A_414 : vector<16xf32>
          %broadcast_in_dim3A_416 = arith.constant 1 : i32
          %broadcast_in_dim3A_417 = vector.broadcast %broadcast_in_dim3A_416 : i32 to vector<16xi32>
          %gather3A_418 = tpu.vector_load_idx %arg12[%add3A_387, %broadcast_in_dim3A_417] : memref<1024x8xi32, #tpu.memory_space<vmem>>[vector<16xi32>, vector<16xi32>], vector<16xi32>,
          %gather3A_419 = tpu.vector_load_idx %arg13[%add3A_387, %broadcast_in_dim3A_417] : memref<1024x8xi32, #tpu.memory_space<vmem>>[vector<16xi32>, vector<16xi32>], vector<16xi32>,
          %shift_left3A_420 = arith.constant 16 : i32
          %shift_left3A_421 = vector.broadcast %shift_left3A_420 : i32 to vector<16xi32>
          %shift_left3A_422 = arith.shli %gather3A_418, %shift_left3A_421 : vector<16xi32>
          %bitcast_convert_type3A_423 = tpu.bitcast %shift_left3A_422 : vector<16xi32> -> vector<16xf32>
          %shift_left3A_424 = arith.constant 16 : i32
          %shift_left3A_425 = vector.broadcast %shift_left3A_424 : i32 to vector<16xi32>
          %shift_left3A_426 = arith.shli %gather3A_419, %shift_left3A_425 : vector<16xi32>
          %bitcast_convert_type3A_427 = tpu.bitcast %shift_left3A_426 : vector<16xi32> -> vector<16xf32>
          %and3A_428 = arith.constant -65536 : i32
          %and3A_429 = vector.broadcast %and3A_428 : i32 to vector<16xi32>
          %and3A_430 = arith.andi %gather3A_418, %and3A_429 : vector<16xi32>
          %bitcast_convert_type3A_431 = tpu.bitcast %and3A_430 : vector<16xi32> -> vector<16xf32>
          %and3A_432 = arith.constant -65536 : i32
          %and3A_433 = vector.broadcast %and3A_432 : i32 to vector<16xi32>
          %and3A_434 = arith.andi %gather3A_419, %and3A_433 : vector<16xi32>
          %bitcast_convert_type3A_435 = tpu.bitcast %and3A_434 : vector<16xi32> -> vector<16xf32>
          %sub3A_436 = arith.subf %bitcast_convert_type3A_423, %bitcast_convert_type3A_427 : vector<16xf32>
          %sub3A_437 = arith.subf %bitcast_convert_type3A_431, %bitcast_convert_type3A_435 : vector<16xf32>
          %mul3A_438 = arith.mulf %sub3A_436, %sub3A_436 : vector<16xf32>
          %add3A_439 = arith.addf %add3A_415, %mul3A_438 : vector<16xf32>
          %mul3A_440 = arith.mulf %sub3A_437, %sub3A_437 : vector<16xf32>
          %add3A_441 = arith.addf %add3A_439, %mul3A_440 : vector<16xf32>
          %broadcast_in_dim3A_442 = arith.constant 2 : i32
          %broadcast_in_dim3A_443 = vector.broadcast %broadcast_in_dim3A_442 : i32 to vector<16xi32>
          %gather3A_444 = tpu.vector_load_idx %arg12[%add3A_387, %broadcast_in_dim3A_443] : memref<1024x8xi32, #tpu.memory_space<vmem>>[vector<16xi32>, vector<16xi32>], vector<16xi32>,
          %gather3A_445 = tpu.vector_load_idx %arg13[%add3A_387, %broadcast_in_dim3A_443] : memref<1024x8xi32, #tpu.memory_space<vmem>>[vector<16xi32>, vector<16xi32>], vector<16xi32>,
          %shift_left3A_446 = arith.constant 16 : i32
          %shift_left3A_447 = vector.broadcast %shift_left3A_446 : i32 to vector<16xi32>
          %shift_left3A_448 = arith.shli %gather3A_444, %shift_left3A_447 : vector<16xi32>
          %bitcast_convert_type3A_449 = tpu.bitcast %shift_left3A_448 : vector<16xi32> -> vector<16xf32>
          %shift_left3A_450 = arith.constant 16 : i32
          %shift_left3A_451 = vector.broadcast %shift_left3A_450 : i32 to vector<16xi32>
          %shift_left3A_452 = arith.shli %gather3A_445, %shift_left3A_451 : vector<16xi32>
          %bitcast_convert_type3A_453 = tpu.bitcast %shift_left3A_452 : vector<16xi32> -> vector<16xf32>
          %and3A_454 = arith.constant -65536 : i32
          %and3A_455 = vector.broadcast %and3A_454 : i32 to vector<16xi32>
          %and3A_456 = arith.andi %gather3A_444, %and3A_455 : vector<16xi32>
          %bitcast_convert_type3A_457 = tpu.bitcast %and3A_456 : vector<16xi32> -> vector<16xf32>
          %and3A_458 = arith.constant -65536 : i32
          %and3A_459 = vector.broadcast %and3A_458 : i32 to vector<16xi32>
          %and3A_460 = arith.andi %gather3A_445, %and3A_459 : vector<16xi32>
          %bitcast_convert_type3A_461 = tpu.bitcast %and3A_460 : vector<16xi32> -> vector<16xf32>
          %sub3A_462 = arith.subf %bitcast_convert_type3A_449, %bitcast_convert_type3A_453 : vector<16xf32>
          %sub3A_463 = arith.subf %bitcast_convert_type3A_457, %bitcast_convert_type3A_461 : vector<16xf32>
          %mul3A_464 = arith.mulf %sub3A_462, %sub3A_462 : vector<16xf32>
          %add3A_465 = arith.addf %add3A_441, %mul3A_464 : vector<16xf32>
          %mul3A_466 = arith.mulf %sub3A_463, %sub3A_463 : vector<16xf32>
          %add3A_467 = arith.addf %add3A_465, %mul3A_466 : vector<16xf32>
          %broadcast_in_dim3A_468 = arith.constant 3 : i32
          %broadcast_in_dim3A_469 = vector.broadcast %broadcast_in_dim3A_468 : i32 to vector<16xi32>
          %gather3A_470 = tpu.vector_load_idx %arg12[%add3A_387, %broadcast_in_dim3A_469] : memref<1024x8xi32, #tpu.memory_space<vmem>>[vector<16xi32>, vector<16xi32>], vector<16xi32>,
          %gather3A_471 = tpu.vector_load_idx %arg13[%add3A_387, %broadcast_in_dim3A_469] : memref<1024x8xi32, #tpu.memory_space<vmem>>[vector<16xi32>, vector<16xi32>], vector<16xi32>,
          %shift_left3A_472 = arith.constant 16 : i32
          %shift_left3A_473 = vector.broadcast %shift_left3A_472 : i32 to vector<16xi32>
          %shift_left3A_474 = arith.shli %gather3A_470, %shift_left3A_473 : vector<16xi32>
          %bitcast_convert_type3A_475 = tpu.bitcast %shift_left3A_474 : vector<16xi32> -> vector<16xf32>
          %shift_left3A_476 = arith.constant 16 : i32
          %shift_left3A_477 = vector.broadcast %shift_left3A_476 : i32 to vector<16xi32>
          %shift_left3A_478 = arith.shli %gather3A_471, %shift_left3A_477 : vector<16xi32>
          %bitcast_convert_type3A_479 = tpu.bitcast %shift_left3A_478 : vector<16xi32> -> vector<16xf32>
          %and3A_480 = arith.constant -65536 : i32
          %and3A_481 = vector.broadcast %and3A_480 : i32 to vector<16xi32>
          %and3A_482 = arith.andi %gather3A_470, %and3A_481 : vector<16xi32>
          %bitcast_convert_type3A_483 = tpu.bitcast %and3A_482 : vector<16xi32> -> vector<16xf32>
          %and3A_484 = arith.constant -65536 : i32
          %and3A_485 = vector.broadcast %and3A_484 : i32 to vector<16xi32>
          %and3A_486 = arith.andi %gather3A_471, %and3A_485 : vector<16xi32>
          %bitcast_convert_type3A_487 = tpu.bitcast %and3A_486 : vector<16xi32> -> vector<16xf32>
          %sub3A_488 = arith.subf %bitcast_convert_type3A_475, %bitcast_convert_type3A_479 : vector<16xf32>
          %sub3A_489 = arith.subf %bitcast_convert_type3A_483, %bitcast_convert_type3A_487 : vector<16xf32>
          %mul3A_490 = arith.mulf %sub3A_488, %sub3A_488 : vector<16xf32>
          %add3A_491 = arith.addf %add3A_467, %mul3A_490 : vector<16xf32>
          %mul3A_492 = arith.mulf %sub3A_489, %sub3A_489 : vector<16xf32>
          %add3A_493 = arith.addf %add3A_491, %mul3A_492 : vector<16xf32>
          %broadcast_in_dim3A_494 = arith.constant 4 : i32
          %broadcast_in_dim3A_495 = vector.broadcast %broadcast_in_dim3A_494 : i32 to vector<16xi32>
          %gather3A_496 = tpu.vector_load_idx %arg12[%add3A_387, %broadcast_in_dim3A_495] : memref<1024x8xi32, #tpu.memory_space<vmem>>[vector<16xi32>, vector<16xi32>], vector<16xi32>,
          %gather3A_497 = tpu.vector_load_idx %arg13[%add3A_387, %broadcast_in_dim3A_495] : memref<1024x8xi32, #tpu.memory_space<vmem>>[vector<16xi32>, vector<16xi32>], vector<16xi32>,
          %shift_left3A_498 = arith.constant 16 : i32
          %shift_left3A_499 = vector.broadcast %shift_left3A_498 : i32 to vector<16xi32>
          %shift_left3A_500 = arith.shli %gather3A_496, %shift_left3A_499 : vector<16xi32>
          %bitcast_convert_type3A_501 = tpu.bitcast %shift_left3A_500 : vector<16xi32> -> vector<16xf32>
          %shift_left3A_502 = arith.constant 16 : i32
          %shift_left3A_503 = vector.broadcast %shift_left3A_502 : i32 to vector<16xi32>
          %shift_left3A_504 = arith.shli %gather3A_497, %shift_left3A_503 : vector<16xi32>
          %bitcast_convert_type3A_505 = tpu.bitcast %shift_left3A_504 : vector<16xi32> -> vector<16xf32>
          %and3A_506 = arith.constant -65536 : i32
          %and3A_507 = vector.broadcast %and3A_506 : i32 to vector<16xi32>
          %and3A_508 = arith.andi %gather3A_496, %and3A_507 : vector<16xi32>
          %bitcast_convert_type3A_509 = tpu.bitcast %and3A_508 : vector<16xi32> -> vector<16xf32>
          %and3A_510 = arith.constant -65536 : i32
          %and3A_511 = vector.broadcast %and3A_510 : i32 to vector<16xi32>
          %and3A_512 = arith.andi %gather3A_497, %and3A_511 : vector<16xi32>
          %bitcast_convert_type3A_513 = tpu.bitcast %and3A_512 : vector<16xi32> -> vector<16xf32>
          %sub3A_514 = arith.subf %bitcast_convert_type3A_501, %bitcast_convert_type3A_505 : vector<16xf32>
          %sub3A_515 = arith.subf %bitcast_convert_type3A_509, %bitcast_convert_type3A_513 : vector<16xf32>
          %mul3A_516 = arith.mulf %sub3A_514, %sub3A_514 : vector<16xf32>
          %add3A_517 = arith.addf %add3A_493, %mul3A_516 : vector<16xf32>
          %mul3A_518 = arith.mulf %sub3A_515, %sub3A_515 : vector<16xf32>
          %add3A_519 = arith.addf %add3A_517, %mul3A_518 : vector<16xf32>
          %broadcast_in_dim3A_520 = arith.constant 5 : i32
          %broadcast_in_dim3A_521 = vector.broadcast %broadcast_in_dim3A_520 : i32 to vector<16xi32>
          %gather3A_522 = tpu.vector_load_idx %arg12[%add3A_387, %broadcast_in_dim3A_521] : memref<1024x8xi32, #tpu.memory_space<vmem>>[vector<16xi32>, vector<16xi32>], vector<16xi32>,
          %gather3A_523 = tpu.vector_load_idx %arg13[%add3A_387, %broadcast_in_dim3A_521] : memref<1024x8xi32, #tpu.memory_space<vmem>>[vector<16xi32>, vector<16xi32>], vector<16xi32>,
          %shift_left3A_524 = arith.constant 16 : i32
          %shift_left3A_525 = vector.broadcast %shift_left3A_524 : i32 to vector<16xi32>
          %shift_left3A_526 = arith.shli %gather3A_522, %shift_left3A_525 : vector<16xi32>
          %bitcast_convert_type3A_527 = tpu.bitcast %shift_left3A_526 : vector<16xi32> -> vector<16xf32>
          %shift_left3A_528 = arith.constant 16 : i32
          %shift_left3A_529 = vector.broadcast %shift_left3A_528 : i32 to vector<16xi32>
          %shift_left3A_530 = arith.shli %gather3A_523, %shift_left3A_529 : vector<16xi32>
          %bitcast_convert_type3A_531 = tpu.bitcast %shift_left3A_530 : vector<16xi32> -> vector<16xf32>
          %and3A_532 = arith.constant -65536 : i32
          %and3A_533 = vector.broadcast %and3A_532 : i32 to vector<16xi32>
          %and3A_534 = arith.andi %gather3A_522, %and3A_533 : vector<16xi32>
          %bitcast_convert_type3A_535 = tpu.bitcast %and3A_534 : vector<16xi32> -> vector<16xf32>
          %and3A_536 = arith.constant -65536 : i32
          %and3A_537 = vector.broadcast %and3A_536 : i32 to vector<16xi32>
          %and3A_538 = arith.andi %gather3A_523, %and3A_537 : vector<16xi32>
          %bitcast_convert_type3A_539 = tpu.bitcast %and3A_538 : vector<16xi32> -> vector<16xf32>
          %sub3A_540 = arith.subf %bitcast_convert_type3A_527, %bitcast_convert_type3A_531 : vector<16xf32>
          %sub3A_541 = arith.subf %bitcast_convert_type3A_535, %bitcast_convert_type3A_539 : vector<16xf32>
          %mul3A_542 = arith.mulf %sub3A_540, %sub3A_540 : vector<16xf32>
          %add3A_543 = arith.addf %add3A_519, %mul3A_542 : vector<16xf32>
          %mul3A_544 = arith.mulf %sub3A_541, %sub3A_541 : vector<16xf32>
          %add3A_545 = arith.addf %add3A_543, %mul3A_544 : vector<16xf32>
          %broadcast_in_dim3A_546 = arith.constant 6 : i32
          %broadcast_in_dim3A_547 = vector.broadcast %broadcast_in_dim3A_546 : i32 to vector<16xi32>
          %gather3A_548 = tpu.vector_load_idx %arg12[%add3A_387, %broadcast_in_dim3A_547] : memref<1024x8xi32, #tpu.memory_space<vmem>>[vector<16xi32>, vector<16xi32>], vector<16xi32>,
          %gather3A_549 = tpu.vector_load_idx %arg13[%add3A_387, %broadcast_in_dim3A_547] : memref<1024x8xi32, #tpu.memory_space<vmem>>[vector<16xi32>, vector<16xi32>], vector<16xi32>,
          %shift_left3A_550 = arith.constant 16 : i32
          %shift_left3A_551 = vector.broadcast %shift_left3A_550 : i32 to vector<16xi32>
          %shift_left3A_552 = arith.shli %gather3A_548, %shift_left3A_551 : vector<16xi32>
          %bitcast_convert_type3A_553 = tpu.bitcast %shift_left3A_552 : vector<16xi32> -> vector<16xf32>
          %shift_left3A_554 = arith.constant 16 : i32
          %shift_left3A_555 = vector.broadcast %shift_left3A_554 : i32 to vector<16xi32>
          %shift_left3A_556 = arith.shli %gather3A_549, %shift_left3A_555 : vector<16xi32>
          %bitcast_convert_type3A_557 = tpu.bitcast %shift_left3A_556 : vector<16xi32> -> vector<16xf32>
          %and3A_558 = arith.constant -65536 : i32
          %and3A_559 = vector.broadcast %and3A_558 : i32 to vector<16xi32>
          %and3A_560 = arith.andi %gather3A_548, %and3A_559 : vector<16xi32>
          %bitcast_convert_type3A_561 = tpu.bitcast %and3A_560 : vector<16xi32> -> vector<16xf32>
          %and3A_562 = arith.constant -65536 : i32
          %and3A_563 = vector.broadcast %and3A_562 : i32 to vector<16xi32>
          %and3A_564 = arith.andi %gather3A_549, %and3A_563 : vector<16xi32>
          %bitcast_convert_type3A_565 = tpu.bitcast %and3A_564 : vector<16xi32> -> vector<16xf32>
          %sub3A_566 = arith.subf %bitcast_convert_type3A_553, %bitcast_convert_type3A_557 : vector<16xf32>
          %sub3A_567 = arith.subf %bitcast_convert_type3A_561, %bitcast_convert_type3A_565 : vector<16xf32>
          %mul3A_568 = arith.mulf %sub3A_566, %sub3A_566 : vector<16xf32>
          %add3A_569 = arith.addf %add3A_545, %mul3A_568 : vector<16xf32>
          %mul3A_570 = arith.mulf %sub3A_567, %sub3A_567 : vector<16xf32>
          %add3A_571 = arith.addf %add3A_569, %mul3A_570 : vector<16xf32>
          %broadcast_in_dim3A_572 = arith.constant 7 : i32
          %broadcast_in_dim3A_573 = vector.broadcast %broadcast_in_dim3A_572 : i32 to vector<16xi32>
          %gather3A_574 = tpu.vector_load_idx %arg12[%add3A_387, %broadcast_in_dim3A_573] : memref<1024x8xi32, #tpu.memory_space<vmem>>[vector<16xi32>, vector<16xi32>], vector<16xi32>,
          %gather3A_575 = tpu.vector_load_idx %arg13[%add3A_387, %broadcast_in_dim3A_573] : memref<1024x8xi32, #tpu.memory_space<vmem>>[vector<16xi32>, vector<16xi32>], vector<16xi32>,
          %shift_left3A_576 = arith.constant 16 : i32
          %shift_left3A_577 = vector.broadcast %shift_left3A_576 : i32 to vector<16xi32>
          %shift_left3A_578 = arith.shli %gather3A_574, %shift_left3A_577 : vector<16xi32>
          %bitcast_convert_type3A_579 = tpu.bitcast %shift_left3A_578 : vector<16xi32> -> vector<16xf32>
          %shift_left3A_580 = arith.constant 16 : i32
          %shift_left3A_581 = vector.broadcast %shift_left3A_580 : i32 to vector<16xi32>
          %shift_left3A_582 = arith.shli %gather3A_575, %shift_left3A_581 : vector<16xi32>
          %bitcast_convert_type3A_583 = tpu.bitcast %shift_left3A_582 : vector<16xi32> -> vector<16xf32>
          %and3A_584 = arith.constant -65536 : i32
          %and3A_585 = vector.broadcast %and3A_584 : i32 to vector<16xi32>
          %and3A_586 = arith.andi %gather3A_574, %and3A_585 : vector<16xi32>
          %bitcast_convert_type3A_587 = tpu.bitcast %and3A_586 : vector<16xi32> -> vector<16xf32>
          %and3A_588 = arith.constant -65536 : i32
          %and3A_589 = vector.broadcast %and3A_588 : i32 to vector<16xi32>
          %and3A_590 = arith.andi %gather3A_575, %and3A_589 : vector<16xi32>
          %bitcast_convert_type3A_591 = tpu.bitcast %and3A_590 : vector<16xi32> -> vector<16xf32>
          %sub3A_592 = arith.subf %bitcast_convert_type3A_579, %bitcast_convert_type3A_583 : vector<16xf32>
          %sub3A_593 = arith.subf %bitcast_convert_type3A_587, %bitcast_convert_type3A_591 : vector<16xf32>
          %mul3A_594 = arith.mulf %sub3A_592, %sub3A_592 : vector<16xf32>
          %add3A_595 = arith.addf %add3A_571, %mul3A_594 : vector<16xf32>
          %mul3A_596 = arith.mulf %sub3A_593, %sub3A_593 : vector<16xf32>
          %add3A_597 = arith.addf %add3A_595, %mul3A_596 : vector<16xf32>
          %add3A_598 = arith.constant 9.99999996E-13 : f32
          %add3A_599 = vector.broadcast %add3A_598 : f32 to vector<16xf32>
          %add3A_600 = arith.addf %add3A_597, %add3A_599 : vector<16xf32>
          %bitcast_convert_type3A_601 = tpu.bitcast %add3A_600 : vector<16xf32> -> vector<16xi32>
          %shift_right_arithmetic3A_602 = arith.constant 1 : i32
          %shift_right_arithmetic3A_603 = vector.broadcast %shift_right_arithmetic3A_602 : i32 to vector<16xi32>
          %shift_right_arithmetic3A_604 = arith.shrsi %bitcast_convert_type3A_601, %shift_right_arithmetic3A_603 : vector<16xi32>
          %sub3A_605 = arith.constant 1597463007 : i32
          %sub3A_606 = vector.broadcast %sub3A_605 : i32 to vector<16xi32>
          %sub3A_607 = arith.subi %sub3A_606, %shift_right_arithmetic3A_604 : vector<16xi32>
          %bitcast_convert_type3A_608 = tpu.bitcast %sub3A_607 : vector<16xi32> -> vector<16xf32>
          %mul3A_609 = arith.constant 5.000000e-01 : f32
          %mul3A_610 = vector.broadcast %mul3A_609 : f32 to vector<16xf32>
          %mul3A_611 = arith.mulf %mul3A_610, %add3A_600 : vector<16xf32>
          %mul3A_612 = arith.mulf %mul3A_611, %bitcast_convert_type3A_608 : vector<16xf32>
          %mul3A_613 = arith.mulf %mul3A_612, %bitcast_convert_type3A_608 : vector<16xf32>
          %sub3A_614 = arith.constant 1.500000e+00 : f32
          %sub3A_615 = vector.broadcast %sub3A_614 : f32 to vector<16xf32>
          %sub3A_616 = arith.subf %sub3A_615, %mul3A_613 : vector<16xf32>
          %mul3A_617 = arith.mulf %bitcast_convert_type3A_608, %sub3A_616 : vector<16xf32>
          %mul3A_618 = arith.mulf %mul3A_611, %mul3A_617 : vector<16xf32>
          %mul3A_619 = arith.mulf %mul3A_618, %mul3A_617 : vector<16xf32>
          %sub3A_620 = arith.constant 1.500000e+00 : f32
          %sub3A_621 = vector.broadcast %sub3A_620 : f32 to vector<16xf32>
          %sub3A_622 = arith.subf %sub3A_621, %mul3A_619 : vector<16xf32>
          %mul3A_623 = arith.mulf %mul3A_617, %sub3A_622 : vector<16xf32>
          %mul3A_624 = arith.mulf %add3A_600, %mul3A_623 : vector<16xf32>
          %mul3A_625 = arith.constant 16 : i32
          %mul3A_626 = arith.muli %add3A_382, %mul3A_625 : i32
          %swap3A_627 = arith.index_cast %mul3A_626 : i32 to index
          %swap3A_628 = tpu.vector_load %arg15[%swap3A_627] {strides = array<i32>} : memref<1024xf32, #tpu.memory_space<vmem>>, vector<16xf32>,
          tpu.vector_store %arg15[%swap3A_627], %mul3A_624 {strides = array<i32>} : memref<1024xf32, #tpu.memory_space<vmem>>, vector<16xf32>,
        }
        %scan3A_129 = arith.constant 32 : i32
        %mul3A_130 = arith.constant 32 : i32
        %mul3A_131 = arith.muli %add3A_124, %mul3A_130 : i32
        %add3A_132 = arith.addi %mul3A_131, %add3A : i32
        %mul3A_133 = arith.constant 1024 : i32
        %mul3A_134 = arith.muli %add3A_132, %mul3A_133 : i32
        %dma_start3A_135 = tpu.memref_slice %arg5[%mul3A_134] : memref<3200000xf32, #tpu.memory_space<hbm>> -> memref<1024xf32, #tpu.memory_space<hbm>>
        %dma_start3A_136 = tpu.memref_slice %arg5[%mul3A_134] : memref<3200000xf32, #tpu.memory_space<hbm>> -> memref<1024xf32, #tpu.memory_space<hbm>>
        tpu.enqueue_dma source(%arg15 : memref<1024xf32, #tpu.memory_space<vmem>>) target(%dma_start3A_136 : memref<1024xf32, #tpu.memory_space<hbm>>) target_semaphore(%arg21 : memref<!tpu.dma_semaphore, #tpu.memory_space<semaphore_mem>>)
      } else {
      }
    }
    %scan3A_28 = arith.constant 49 : i32
    %dma_wait3A_29 = arith.constant 0 : i32
    %dma_wait3A_30 = tpu.memref_slice %arg5[%dma_wait3A_29] : memref<3200000xf32, #tpu.memory_space<hbm>> -> memref<1024xf32, #tpu.memory_space<hbm>>
    %dma_wait3A_31 = arith.constant 0 : i32
    %dma_wait3A_32 = tpu.memref_slice %arg5[%dma_wait3A_31] : memref<3200000xf32, #tpu.memory_space<hbm>> -> memref<1024xf32, #tpu.memory_space<hbm>>
    tpu.wait_dma2 semaphore(%arg20 : memref<!tpu.dma_semaphore, #tpu.memory_space<semaphore_mem>>) src(%arg14 : memref<1024xf32, #tpu.memory_space<vmem>>) dst(%dma_wait3A_32 : memref<1024xf32, #tpu.memory_space<hbm>>)
    %dma_wait3A_33 = arith.constant 0 : i32
    %dma_wait3A_34 = tpu.memref_slice %arg5[%dma_wait3A_33] : memref<3200000xf32, #tpu.memory_space<hbm>> -> memref<1024xf32, #tpu.memory_space<hbm>>
    %dma_wait3A_35 = arith.constant 0 : i32
    %dma_wait3A_36 = tpu.memref_slice %arg5[%dma_wait3A_35] : memref<3200000xf32, #tpu.memory_space<hbm>> -> memref<1024xf32, #tpu.memory_space<hbm>>
    tpu.wait_dma2 semaphore(%arg21 : memref<!tpu.dma_semaphore, #tpu.memory_space<semaphore_mem>>) src(%arg15 : memref<1024xf32, #tpu.memory_space<vmem>>) dst(%dma_wait3A_36 : memref<1024xf32, #tpu.memory_space<hbm>>)
    return
  }
}

</mosaic_0001>

<sc_bundles>
// kernel: _mde_distances.3.cloned.1.call-start
scs
__scs_entry_jumppad:
0x0: {  	(pc) =	sbr.rel $0x88, $3  }
0x1: {  	(tag) =	ssettag $0x0;
	lr =	simm.s32 $0x1  }
0x2: {  	[smem:$0x3F9E] =	sst lr;
	_ =	strace $0xD0000000  }
0x3: {  	_ = 	snop  }
0x4: {  	_ = 	snop  }
0x5: {  	_ = 	snop  }
0x6: {  	_ = 	snop  }
0x7: {  	_ = 	snop  }
__scs_overlays_trampoline_lowered:
0x8: {  	[smem:$0x3FAD] =	sst s0  }
0x9: {  	[smem:$0x3FAE] =	sst s1  }
0xa: {  	[smem:$0x3FAF] =	sst s2  }
0xb: {  	[smem:$0x3FB0] =	sst s3  }
0xc: {  	[smem:$0x3FB1] =	sst s4  }
0xd: {  	[smem:$0x3FB2] =	sst s5  }
0xe: {  	[smem:$0x3FB3] =	sst s6  }
0xf: {  	[smem:$0x3FB4] =	sst s7  }
0x10: {  	[smem:$0x3FB5] =	sst s8  }
0x11: {  	[smem:$0x3FB6] =	sst s9;
	s0 =	simm.s32 @!p0 $0x0  }
0x12: {  	s1 =	sld [smem:$0x3F9C];
	s0 =	simm.s32 @p0 $0x1  }
0x13: {  	[smem:$0x3FB7] =	sst s0;
	s0 =	simm.s32 @!p1 $0x0  }
0x14: {  	s2 =	sld [smem:$0x3F9B];
	s0 =	simm.s32 @p1 $0x1  }
0x15: {  	[smem:$0x3FB8] =	sst s0;
	s0 =	simm.s32 @!p2 $0x0  }
0x16: {  	s3 =	sld [smem:$0x3FDB];
	s0 =	simm.s32 @p2 $0x1  }
0x17: {  	s4 =	simm.s32 $0x1BF5;
	[smem:$0x3FBA] =	sst s0  }
0x18: {  	s0 =	sld [smem:$0x3F9D];
	_ =	swait.ge [sflag:s4], $0x0  }
0x19: {  	s7 =	sld [smem:$0x3F9E]  }
0x1a: {  	s8 =	sadd.s32 $0xFFFFE003, lr  }
0x1b: {  	s9 =	sadd.s32 $0xFFFFFEF7, lr;
	s5 =	simm.s32 $0xFFFFFFFF;
	p2 =	slt.u32 s8, $0xFFFFF086  }
0x1c: {  	p1 =	slt.u32 s9, $0xF7A;
	s5 =	simm.s32 @!p2 $0x0  }
0x1d: {  	s5 =	simm.s32 @p1 $0x1;
	p0 =	seq.s32 s7, s2  }
0x1e: {  	s7 =	smul.u32 @!p0 $0xF7A, s2;
	p2 =	seq.s32 @!p0 s5, $0x0  }
0x1f: {  	s9 =	smul.u32 $0xF7A, s1;
	s8 =	simm.s32 @!p0 $0x1BF5;
	p2 =	por !p2, p0  }
0x20: {  	[sflag:s8] =	ssyncset.s32 @!p0 $0xFFFFF086;
	s6 =	sadd.s32 @!p0 s3, s7;
	s7 =	simm.s32 @!p0 $0x108  }
0x21: {  	s3 =	sadd.s32 s3, s9;
	s6 =	sadd.s32 @!p0 $0x88, s6;
	s7 =	simm.s32 @p2 $0x1082  }
0x22: {  	[simem:s7], [sflag:s8] =	dma.local @!p0 [hbm:s6], $0xF7A  }
0x23: {  	s9 =	sor.u32 $0xD0000000, s2;
	s6 =	simm.s32 $0x108;
	_ =	swait.ge @!p0 [sflag:s8], $0x0  }
0x24: {  	s3 =	sadd.s32 $0x88, s3;
	s6 =	simm.s32 @!p1 $0x1082;
	[sflag:s4] =	ssyncset.s32 $0xFFFFF086  }
0x25: {  	[simem:s6], [sflag:s4] =	dma.local [hbm:s3], $0xF7A  }
0x26: {  	[smem:$0x3F9E] =	sst s1;
	(tag) =	ssettag s2;
	_ =	strace s9  }
0x27: {  	s1 =	sld [smem:$0x3FAE]  }
0x28: {  	s2 =	sld [smem:$0x3FAF]  }
0x29: {  	s4 =	sld [smem:$0x3FB1]  }
0x2a: {  	p0 =	seq.s32 s5, $0x0;
	s5 =	sld [smem:$0x3FB2]  }
0x2b: {  	s6 =	sld [smem:$0x3FB3]  }
0x2c: {  	s7 =	sld [smem:$0x3FB4]  }
0x2d: {  	s3 =	simm.s32 $0x108;
	s8 =	sld [smem:$0x3FB5]  }
0x2e: {  	s3 =	simm.s32 @!p0 $0x1082;
	s9 =	sld [smem:$0x3FB6]  }
0x2f: {  	lr =	sadd.s32 s0, s3;
	s0 =	sld [smem:$0x3FAD]  }
0x30: {  	s3 =	sld [smem:$0x3FB0]  }
0x31: {  	[smem:$0x3FB9] =	sst s10  }
0x32: {  	s10 =	sld [smem:$0x3FB7];
	_ =	sdelay $0x3  }
0x33: {  	p0 =	seq.s32 s10, $0x1;
	s10 =	sld [smem:$0x3FB9];
	_ =	sdelay $0x3  }
0x34: {  	[smem:$0x3FB9] =	sst s10  }
0x35: {  	s10 =	sld [smem:$0x3FB8];
	_ =	sdelay $0x3  }
0x36: {  	p1 =	seq.s32 s10, $0x1;
	s10 =	sld [smem:$0x3FB9];
	_ =	sdelay $0x3  }
0x37: {  	[smem:$0x3FB9] =	sst s10  }
0x38: {  	s10 =	sld [smem:$0x3FBA]  }
0x39: {  	_ = 	snop;
	(pc) =	sbr.ind lr, $3  }
0x3a: {  	_ = 	snop  }
0x3b: {  	_ = 	snop  }
0x3c: {  	p2 =	seq.s32 s10, $0x1;
	s10 =	sld [smem:$0x3FB9]  }
0x3d: {  	_ =	shalt  }
0x3e: {  	_ =	shalt  }
0x3f: {  	_ =	shalt  }
0x40: {  	_ =	shalt  }
0x41: {  	_ =	shalt  }
0x42: {  	_ =	shalt  }
0x43: {  	_ =	shalt  }
0x44: {  	_ =	shalt  }
0x45: {  	_ =	shalt  }
0x46: {  	_ =	shalt  }
0x47: {  	_ =	shalt  }
0x48: {  	_ =	shalt  }
0x49: {  	_ =	shalt  }
0x4a: {  	_ =	shalt  }
0x4b: {  	_ =	shalt  }
0x4c: {  	_ =	shalt  }
0x4d: {  	_ =	shalt  }
0x4e: {  	_ =	shalt  }
0x4f: {  	_ =	shalt  }
0x50: {  	_ =	shalt  }
0x51: {  	_ =	shalt  }
0x52: {  	_ =	shalt  }
0x53: {  	_ =	shalt  }
0x54: {  	_ =	shalt  }
0x55: {  	_ =	shalt  }
0x56: {  	_ =	shalt  }
0x57: {  	_ =	shalt  }
0x58: {  	_ =	shalt  }
0x59: {  	_ =	shalt  }
0x5a: {  	_ =	shalt  }
0x5b: {  	_ =	shalt  }
0x5c: {  	_ =	shalt  }
0x5d: {  	_ =	shalt  }
0x5e: {  	_ =	shalt  }
0x5f: {  	_ =	shalt  }
0x60: {  	_ =	shalt  }
0x61: {  	_ =	shalt  }
0x62: {  	_ =	shalt  }
0x63: {  	_ =	shalt  }
0x64: {  	_ =	shalt  }
0x65: {  	_ =	shalt  }
0x66: {  	_ =	shalt  }
0x67: {  	_ =	shalt  }
0x68: {  	_ =	shalt  }
0x69: {  	_ =	shalt  }
0x6a: {  	_ =	shalt  }
0x6b: {  	_ =	shalt  }
0x6c: {  	_ =	shalt  }
0x6d: {  	_ =	shalt  }
0x6e: {  	_ =	shalt  }
0x6f: {  	_ =	shalt  }
0x70: {  	_ =	shalt  }
0x71: {  	_ =	shalt  }
0x72: {  	_ =	shalt  }
0x73: {  	_ =	shalt  }
0x74: {  	_ =	shalt  }
0x75: {  	_ =	shalt  }
0x76: {  	_ =	shalt  }
0x77: {  	_ =	shalt  }
0x78: {  	_ =	shalt  }
0x79: {  	_ =	shalt  }
0x7a: {  	_ =	shalt  }
0x7b: {  	_ =	shalt  }
0x7c: {  	_ =	shalt  }
0x7d: {  	_ =	shalt  }
0x7e: {  	_ =	shalt  }
0x7f: {  	_ =	shalt  }
0x80: {  	_ =	shalt  }
0x81: {  	_ =	shalt  }
0x82: {  	_ =	shalt  }
0x83: {  	_ =	shalt  }
0x84: {  	_ =	shalt  }
0x85: {  	_ =	shalt  }
0x86: {  	_ =	shalt  }
0x87: {  	_ =	shalt  }
.Lfunc_end0:
.L_simem_size_0:
called_computation_lowered:
.L_overlay_start_0:
0x88: {  	s2 =	sld [smem:$0x3FD9]  }
0x89: {  	s3 =	sld [smem:$0x3FFE];
	_ =	sdelay $0x1  }
0x8a: {  	s1 =	srdreg.scid  }
0x8b: {  	s0 =	sand.u32 $0x1, s1  }
0x8c: {  	s17 =	sshll.u32 s0, $0xA;
	s2 =	sadd.s32 s3, s2  }
0x8d: {  	s2 =	sadd.s32 s2, s17  }
0x8e: {  	[smem:$0x3FC5] =	sst s2  }
0x8f: {  	_ = 	snop  }
0x90: {  	s2 =	sld [smem:$0x3FC8]  }
0x91: {  	s18 =	sld [smem:$0x3FC7]  }
0x92: {  	s4 =	sld [smem:$0x3FD0];
	(tm) =	ssettm $0x1  }
0x93: {  	s5 =	sld [smem:$0x3FFB];
	_ =	sdelay $0x3  }
0x94: {  	_ =	strace s5  }
0x95: {  	s5 =	sld [smem:$0x3FFC];
	_ =	sdelay $0x3  }
0x96: {  	_ =	strace s5  }
0x97: {  	s5 =	sld [smem:$0x3FFD];
	_ =	sdelay $0x3  }
0x98: {  	_ =	strace s5  }
0x99: {  	_ =	strace $0x8FFFFFFF  }
0x9a: {  	s19 =	sld [smem:$0x3FDB];
	_ =	sdelay $0x1  }
0x9b: {  	s6 =	simm.s32 $_scs_section_size  }
0x9c: {  	s7 =	simm.s32 $_size__tile_overlayer_lowered;
	s8 =	simm.s32 $_tile_overlayer_lowered  }
0x9d: {  	s22 =	simm.s32 $0x1BFF;
	s21 =	sshll.u32 s8, $0x1;
	s5 =	sadd.s32 s6, s19  }
0x9e: {  	s9 =	simm.s32 $0x0;
	s20 =	sshll.u32 s7, $0x1;
	s7 =	sadd.s32 s21, s5  }
0x9f: {  	[timem:s9], [sflag:s22] =	dma.local [hbm:s7], s20  }
0xa0: {  	_ =	swait.ge [sflag:s22], s20  }
0xa1: {  	s6 =	ssub.s32 $0x0, s20;
	[sflag:s22] =	ssyncset.done $0x0  }
0xa2: {  	[sflag:s22] =	ssyncadd.s32 s6;
	_ =	sdelay $0x1  }
0xa3: {  	s23 =	simm.s32 $0x1B8B  }
0xa4: {  	_ =	swait.ge [sflag:s23], $0x1  }
0xa5: {  	[sflag:s23] =	ssyncset.done $0x0  }
0xa6: {  	s25 =	simm.s32 $0x1B8E;
	s24 =	sld [smem:$0x3FFE];
	[sflag:s23] =	ssyncadd.s32 $0xFFFFFFFF  }
0xa7: {  	s26 =	simm.s32 $execute0_lowered;
	[smem:$0x3FD2] =	sst s25  }
0xa8: {  	s7 =	sshll.u32 s26, $0x1;
	_ =	strace $0x80000046;
	[dreg:$0x1] =	wrdreg $0xFFFFFFFF  }
0xa9: {  	s28 =	simm.s32 $_size_execute0_lowered;
	s5 =	sadd.s32 s5, s7;
	[dreg:$0x0] =	wrdreg $0x0  }
0xaa: {  	s7 =	sshll.u32 s28, $0x1;
	[dreg:$0x2] =	wrdreg s5  }
0xab: {  	[dreg:$0x3] =	wrdreg s7  }
0xac: {  	[dreg:$0x4] =	wrdreg $0xC0  }
0xad: {  	_ =	task [dreg:s9], $0x5FFFF  }
0xae: {  	[dreg:$0x1] =	wrdreg $0xFFFFFFFF  }
0xaf: {  	[dreg:$0x0] =	wrdreg $0x60  }
0xb0: {  	[dreg:$0x2] =	wrdreg s24  }
0xb1: {  	[dreg:$0x3] =	wrdreg s2  }
0xb2: {  	[dreg:$0x4] =	wrdreg s18  }
0xb3: {  	[dreg:$0x5] =	wrdreg s4  }
0xb4: {  	[dreg:$0x6] =	wrdreg $0x9  }
0xb5: {  	_ =	task.clear_ibuf [dreg:s9], $0x7FFFF;
	_ =	strace $0x90000046  }
0xb6: {  	s29 =	simm.s32 $0x9;
	_ =	strace $0x80000048  }
0xb7: {  	_ =	swait.ge [sflag:s29], $0x1  }
0xb8: {  	[sflag:s29] =	ssyncadd.s32 $0xFFFFFFFF  }
0xb9: {  	_ =	strace $0x90000048  }
0xba: {  	_ =	sfence  }
0xbb: {  	s30 =	sld [smem:$0x0];
	_ =	sdelay $0x2  }
0xbc: {  	s31 =	sshll.u32 s1, $0xD;
	s1 =	sshrl.u32 s1, $0x2  }
0xbd: {  	s3 =	sand.u32 $0x4000, s31;
	s1 =	sadd.s32 s1, s30  }
0xbe: {  	s0 =	sor.u32 s3, s0;
	s1 =	sshll.u32 s1, $0x11  }
0xbf: {  	s0 =	sor.u32 s1, s0  }
0xc0: {  	s0 =	sadd.s32 $0x8F2B, s0  }
0xc1: {  	[sflag:s0] =	ssyncadd.remote.s32 $0x1  }
0xc2: {  	_ =	sfence.sel $0xFFFF  }
0xc3: {  	[dreg:$0x0] =	wrdreg $0xFFFFFFFF;
	(pc) =	sbr.abs _section_cstart, $3  }
0xc4: {  	[dreg:$0x1] =	wrdreg $0xFFFFFFFF  }
0xc5: {  	_ =	task.clear_ibuf [dreg:s9], $0x2FFFF;
	_ =	strace $0x9FFFFFFF  }
0xc6: {  	(tm) =	ssettm $0x7FFFFFFF  }
0xc7: {  	_ =	shalt  }
tec
execute0_lowered:
.L_overlay_start_1:
0x0: {  	(tag) =	ssettag $0x1  }
0x1: {  	s0 =	rddreg [dreg:$0x0]  }
0x2: {  	s1 =	rddreg [dreg:$0x1]  }
0x3: {  	s3 =	rddreg [dreg:$0x2]  }
0x4: {  	s4 =	rddreg [dreg:$0x3]  }
0x5: {  	s2 =	srdreg.scid;
	s6 =	stileid.u32;
	s5 =	simm.s32 $0x0  }
0x6: {  	s16 =	simm.s32 $0x400;
	s19 =	simm.s32 $0x1;
	s20 =	simm.s32 $0x1000  }
0x7: {  	s21 =	simm.s32 $0x3000;
	s28 =	simm.s32 $0x9400;
	s29 =	simm.s32 $0x5  }
0x8: {  	s30 =	simm.s32 $0x6;
	s31 =	simm.s32 $0x0;
	s2 =	sand.u32 $0x1, s2  }
0x9: {  	s6 =	sshll.u32 s6, $0x1;
	[smem:$0x7FF] =	sst s5;
	s7 =	ssub.s32 $0x2, s2  }
0xa: {  	s2 =	sor.u32 s2, s6;
	_ =	strace $0x80000047;
	s6 =	sadd.s32 $0x186E00, s0  }
0xb: {  	s8 =	sshrl.u32 s7, $0x1;
	s9 =	sshll.u32 s2, $0x7;
	s11 =	sor.u32 $0x40, s2  }
0xc: {  	s12 =	sor.u32 $0x60, s2;
	s15 =	sor.u32 $0x20, s2;
	s22 =	ssub.s32 s7, s8  }
0xd: {  	s23 =	sor.u32 $0x1000, s9;
	s24 =	sadd.s32 s1, s9;
	s25 =	sadd.s32 s3, s9  }
.Ltmp0:
0xe: {  	s13 =	sadd.s32 s4, s9;
	[dreg:$0x5] =	wrdreg s24;
	(pc) =	sbr.rel .LBB2_1-.Ltmp0, $4  }
0xf: {  	[dreg:$0x6] =	wrdreg s25;
	s26 =	sadd.s32 s1, s23;
	s7 =	sadd.s32 s3, s23  }
0x10: {  	s0 =	smax.u32 s22, $0x1;
	s22 =	simm.s32 $0x3;
	[dreg:$0x7] =	wrdreg s26  }
0x11: {  	v0 =	vlaneseq.u32;
	s23 =	simm.s32 $0x9000;
	s24 =	simm.s32 $0x4;
	[dreg:$0x8] =	wrdreg s7  }
0x12: {  	v0 =	vmul.u32 $0x8, v0;
	s25 =	simm.s32 $0x5000;
	[dreg:$0x9] =	wrdreg s0;
	s26 =	simm.s32 $0x7000  }
.LBB2_9:
0x13: {  	_ =	swait.ge [sflag:s29], $0x400  }
0x14: {  	[sflag:s29] =	ssyncset.done $0x0  }
0x15: {  	[sflag:s29] =	ssyncadd.s32 $0xFFFFFC00  }
0x16: {  	_ =	swait.ge [sflag:s30], $0x400  }
0x17: {  	s31 =	sadd.s32 $0x1, s31;
	s0 =	rddreg [dreg:$0x9]  }
0x18: {  	p0 =	sne.s32 s31, s0  }
.Ltmp1:
0x19: {  	_ = 	snop;
	(pc) =	sbr.rel @!p0 .LBB2_10-.Ltmp1, $3  }
0x1a: {  	_ =	sdelay $0x1  }
0x1b: {  	[sflag:s30] =	ssyncset.done $0x0  }
0x1c: {  	[sflag:s30] =	ssyncadd.s32 $0xFFFFFC00  }
.LBB2_1:
0x1d: {  	s0 =	rddreg [dreg:$0x5]  }
0x1e: {  	[tilespmem:s5], [sflag:$0x1] =	stream.linear.gather [hbm4b:s0+s5], $0x400, $0x38;
	[tilespmem:$0x9800] =	vst v63  }
0x1f: {  	s10 =	rddreg [dreg:$0x6]  }
0x20: {  	[tilespmem:s16], [sflag:$0x1] =	stream.linear.gather [hbm4b:s10+s5], $0x400, $0x38;
	[tilespmem:$0x9800] =	vst v63  }
0x21: {  	s14 =	rddreg [dreg:$0x7];
	s2 =	simm.s32 $0x800  }
0x22: {  	[tilespmem:s2], [sflag:$0x2] =	stream.linear.gather [hbm4b:s14+s5], $0x400, $0x38;
	[tilespmem:$0x9800] =	vst v63  }
0x23: {  	s17 =	rddreg [dreg:$0x8];
	s18 =	simm.s32 $0xC00  }
0x24: {  	[tilespmem:s18], [sflag:$0x2] =	stream.linear.gather [hbm4b:s17+s5], $0x400, $0x38;
	[tilespmem:$0x9800] =	vst v63  }
0x25: {  	_ =	swait.ge [sflag:s19], $0x400  }
0x26: {  	[sflag:s19] =	ssyncset.done $0x0  }
0x27: {  	[sflag:s19] =	ssyncadd.s32 $0xFFFFFC00  }
0x28: {  	_ =	swait.ge [sflag:s19], $0x400  }
.Ltmp2:
0x29: {  	[sflag:s19] =	ssyncset.done $0x0;
	(pc) =	sbr.rel .LBB2_2-.Ltmp2, $4  }
0x2a: {  	[sflag:s19] =	ssyncadd.s32 $0xFFFFFC00  }
0x2b: {  	[tilespmem:s20], [sflag:$0x3] =	stream.indirect.gather [hbm4b:s6+s16], $0x8, s5, s16, $0xb8;
	[tilespmem:$0x9800] =	vst v63  }
0x2c: {  	s0 =	simm.s32 $0x0  }
0x2d: {  	[tilespmem:s21], [sflag:$0x3] =	stream.indirect.gather [hbm4b:s6+s16], $0x8, s16, s16, $0xb8;
	[tilespmem:$0x9800] =	vst v63  }
.LBB2_8:
0x2e: {  	s0 =	sadd.s32 $0x1, s0  }
0x2f: {  	p0 =	sne.s32 s0, $0x31  }
.Ltmp3:
0x30: {  	_ = 	snop;
	(pc) =	sbr.rel @!p0 .LBB2_9-.Ltmp3, $1  }
0x31: {  	_ =	sdelay $0x3  }
.LBB2_2:
0x32: {  	s17 =	sshll.u32 s0, $0x6  }
0x33: {  	s2 =	sor.u32 s15, s17  }
0x34: {  	p0 =	sgt.u32 s2, $0xC34  }
0x35: {  	s7 =	simm.s32 @!p0 $0x2  }
0x36: {  	_ =	swait.ge @!p0 [sflag:s7], $0x400  }
0x37: {  	[sflag:s7] =	ssyncset.done @!p0 $0x0  }
0x38: {  	[sflag:s7] =	ssyncadd.s32 @!p0 $0xFFFFFC00  }
0x39: {  	_ =	swait.ge @!p0 [sflag:s7], $0x400  }
0x3a: {  	s8 =	simm.s32 @!p0 $0x800;
	[sflag:s7] =	ssyncset.done @!p0 $0x0  }
0x3b: {  	s9 =	simm.s32 @!p0 $0x5000;
	[sflag:s7] =	ssyncadd.s32 @!p0 $0xFFFFFC00;
	s7 =	simm.s32 @!p0 $0x400  }
0x3c: {  	[tilespmem:s9], [sflag:$0x4] =	stream.indirect.gather @!p0 [hbm4b:s6+s7], $0x8, s8, s7, $0xb8;
	[tilespmem:$0x9800] =	vst v63  }
0x3d: {  	s8 =	simm.s32 @!p0 $0xC00;
	s9 =	simm.s32 @!p0 $0x7000  }
0x3e: {  	[tilespmem:s9], [sflag:$0x4] =	stream.indirect.gather @!p0 [hbm4b:s6+s7], $0x8, s8, s7, $0xb8;
	[tilespmem:$0x9800] =	vst v63  }
0x3f: {  	_ =	swait.ge [sflag:s22], $0x2000  }
0x40: {  	[sflag:s22] =	ssyncset.done $0x0  }
0x41: {  	s7 =	sadd.s32 s11, s17;
	[sflag:s22] =	ssyncadd.s32 $0xFFFFE000  }
0x42: {  	p2 =	sgt.u32 s7, $0xC34;
	_ =	swait.ge [sflag:s22], $0x2000  }
0x43: {  	s14 =	simm.s32 $0x0;
	s7 =	sshll.u32 @!p2 s7, $0x7;
	[sflag:s22] =	ssyncset.done $0x0  }
0x44: {  	s9 =	simm.s32 @!p2 $0x0;
	s8 =	sadd.s32 @!p2 s1, s7;
	[sflag:s22] =	ssyncadd.s32 $0xFFFFE000  }
0x45: {  	v1 =	vmov s14;
	[tilespmem:s9], [sflag:$0x1] =	stream.linear.gather @!p2 [hbm4b:s8+s9], $0x400, $0x38;
	[tilespmem:$0x9800] =	vst v63  }
0x46: {  	p1 =	seq.s32 s0, $0x0;
	v1 =	vshll.u32 v1, $0x3;
	s10 =	simm.s32 @!p2 $0x400;
	s7 =	sadd.s32 @!p2 s3, s7  }
0x47: {  	v1 =	vor.u32 v0, v1;
	[tilespmem:s10], [sflag:$0x1] =	stream.linear.gather @!p2 [hbm4b:s7+s9], $0x400, $0x38;
	[tilespmem:$0x9800] =	vst v63  }
0x48: {  	s7 =	simm.s32 @!p1 $0x5  }
0x49: {  	v2 =	vor.u32 $0x1, v1;
	_ =	swait.ge @!p1 [sflag:s7], $0x400  }
0x4a: {  	[sflag:s7] =	ssyncset.done @!p1 $0x0  }
0x4b: {  	[sflag:s7] =	ssyncadd.s32 @!p1 $0xFFFFFC00  }
0x4c: {  	v4 =	vld.idx.msk [tilespmem:v1+s20+$0x0], $0xffff  }
0x4d: {  	v5 =	vor.u32 $0x2, v1;
	v3 =	vld.idx.msk [tilespmem:v1+s21+$0x0], $0xffff  }
0x4e: {  	v6 =	vld.idx.msk [tilespmem:v2+s20+$0x0], $0xffff  }
0x4f: {  	v2 =	vld.idx.msk [tilespmem:v2+s21+$0x0], $0xffff;
	_ =	sdelay $0x1  }
0x50: {  	v7 =	vor.u32 $0x3, v1;
	v8 =	vshll.u32 v4, $0x10  }
0x51: {  	v10 =	vld.idx.msk [tilespmem:v5+s20+$0x0], $0xffff;
	v9 =	vshll.u32 v3, $0x10;
	v3 =	vand.u32 $0xFFFF0000, v3;
	v4 =	vand.u32 $0xFFFF0000, v4  }
0x52: {  	v5 =	vld.idx.msk [tilespmem:v5+s21+$0x0], $0xffff;
	v8 =	vsub.f32 v8, v9;
	v3 =	vsub.f32 v4, v3  }
0x53: {  	v11 =	vor.u32 $0x4, v1;
	v36 =	vshll.u32 v2, $0x10;
	v4 =	vshll.u32 v6, $0x10  }
0x54: {  	v4 =	vsub.f32 v4, v36;
	v8 =	vmul.f32 v8, v8;
	v3 =	vmul.f32 v3, v3  }
0x55: {  	v37 =	vld.idx.msk [tilespmem:v7+s20+$0x0], $0xffff;
	v2 =	vand.u32 $0xFFFF0000, v2;
	v6 =	vand.u32 $0xFFFF0000, v6  }
0x56: {  	v7 =	vld.idx.msk [tilespmem:v7+s21+$0x0], $0xffff;
	v2 =	vsub.f32 v6, v2;
	v4 =	vmul.f32 v4, v4;
	v3 =	vadd.f32 v3, v8  }
0x57: {  	v12 =	vor.u32 $0x5, v1;
	v38 =	vshll.u32 v10, $0x10;
	v6 =	vshll.u32 v5, $0x10  }
0x58: {  	v2 =	vmul.f32 v2, v2;
	v3 =	vadd.f32 v4, v3;
	v4 =	vsub.f32 v38, v6  }
0x59: {  	v39 =	vld.idx.msk [tilespmem:v11+s20+$0x0], $0xffff;
	v5 =	vand.u32 $0xFFFF0000, v5;
	v6 =	vand.u32 $0xFFFF0000, v10  }
0x5a: {  	v5 =	vsub.f32 v6, v5;
	v6 =	vld.idx.msk [tilespmem:v11+s21+$0x0], $0xffff;
	v2 =	vadd.f32 v3, v2;
	v3 =	vmul.f32 v4, v4  }
0x5b: {  	v40 =	vor.u32 $0x6, v1;
	v41 =	vshll.u32 v7, $0x10;
	v4 =	vshll.u32 v37, $0x10  }
0x5c: {  	v4 =	vsub.f32 v4, v41;
	v2 =	vadd.f32 v3, v2;
	v3 =	vmul.f32 v5, v5  }
0x5d: {  	v42 =	vld.idx.msk [tilespmem:v12+s21+$0x0], $0xffff;
	v7 =	vand.u32 $0xFFFF0000, v7;
	v5 =	vand.u32 $0xFFFF0000, v37  }
0x5e: {  	v5 =	vsub.f32 v5, v7;
	v7 =	vld.idx.msk [tilespmem:v12+s20+$0x0], $0xffff;
	v2 =	vadd.f32 v2, v3;
	v3 =	vmul.f32 v4, v4  }
0x5f: {  	v1 =	vor.u32 $0x7, v1;
	v4 =	vshll.u32 v39, $0x10;
	v43 =	vshll.u32 v6, $0x10  }
0x60: {  	v5 =	vmul.f32 v5, v5;
	v2 =	vadd.f32 v3, v2;
	v3 =	vsub.f32 v4, v43  }
0x61: {  	v44 =	vld.idx.msk [tilespmem:v40+s21+$0x0], $0xffff;
	v4 =	vand.u32 $0xFFFF0000, v6;
	v6 =	vand.u32 $0xFFFF0000, v39  }
0x62: {  	v4 =	vsub.f32 v6, v4;
	v6 =	vld.idx.msk [tilespmem:v40+s20+$0x0], $0xffff;
	v2 =	vadd.f32 v2, v5;
	v3 =	vmul.f32 v3, v3  }
0x63: {  	v45 =	vshll.u32 v42, $0x10;
	v5 =	vshll.u32 v7, $0x10  }
0x64: {  	v2 =	vadd.f32 v3, v2;
	v3 =	vmul.f32 v4, v4;
	v4 =	vsub.f32 v5, v45  }
0x65: {  	v46 =	vld.idx.msk [tilespmem:v1+s21+$0x0], $0xffff;
	v7 =	vand.u32 $0xFFFF0000, v7;
	v5 =	vand.u32 $0xFFFF0000, v42  }
0x66: {  	v1 =	vld.idx.msk [tilespmem:v1+s20+$0x0], $0xffff;
	v5 =	vsub.f32 v7, v5;
	v2 =	vadd.f32 v2, v3;
	v3 =	vmul.f32 v4, v4  }
0x67: {  	v7 =	vshll.u32 v44, $0x10;
	v4 =	vshll.u32 v6, $0x10  }
0x68: {  	v4 =	vsub.f32 v4, v7;
	v2 =	vadd.f32 v3, v2;
	v3 =	vmul.f32 v5, v5  }
0x69: {  	v6 =	vand.u32 $0xFFFF0000, v6;
	v5 =	vand.u32 $0xFFFF0000, v44  }
0x6a: {  	v5 =	vsub.f32 v6, v5;
	v2 =	vadd.f32 v2, v3;
	v3 =	vmul.f32 v4, v4  }
0x6b: {  	v6 =	vshll.u32 v46, $0x10;
	v4 =	vshll.u32 v1, $0x10  }
0x6c: {  	v5 =	vmul.f32 v5, v5;
	v2 =	vadd.f32 v3, v2;
	v3 =	vsub.f32 v4, v6  }
0x6d: {  	v1 =	vand.u32 $0xFFFF0000, v1;
	v4 =	vand.u32 $0xFFFF0000, v46  }
0x6e: {  	v1 =	vsub.f32 v1, v4;
	v2 =	vadd.f32 v2, v5;
	v3 =	vmul.f32 v3, v3;
	_ =	sdelay $0x1  }
0x6f: {  	v1 =	vmul.f32 v1, v1;
	v2 =	vadd.f32 v3, v2;
	_ =	sdelay $0x1  }
0x70: {  	v1 =	vadd.f32 v2, v1;
	_ =	sdelay $0x1  }
0x71: {  	v1 =	vadd.f32 $9.999999960e-13, v1;
	_ =	sdelay $0x1  }
0x72: {  	v2 =	vshra.s32 v1, $0x1;
	v3 =	vmul.f32 $5.000000000e-01, v1  }
0x73: {  	v2 =	vsub.s32 $0x5F3759DF, v2  }
0x74: {  	v4 =	vmul.f32 v2, v3;
	_ =	sdelay $0x1  }
0x75: {  	v4 =	vmul.f32 v2, v4;
	_ =	sdelay $0x1  }
0x76: {  	v4 =	vsub.f32 $1.500000000e+00, v4;
	_ =	sdelay $0x1  }
0x77: {  	v2 =	vmul.f32 v2, v4;
	_ =	sdelay $0x1  }
0x78: {  	v3 =	vmul.f32 v2, v3;
	_ =	sdelay $0x1  }
0x79: {  	v3 =	vmul.f32 v3, v2  }
0x7a: {  	s18 =	simm.s32 $0x10  }
0x7b: {  	v4 =	vmov s18;
	v3 =	vsub.f32 $1.500000000e+00, v3  }
0x7c: {  	v4 =	vshll.u32 v4, $0x3  }
0x7d: {  	v2 =	vmul.f32 v3, v2;
	v3 =	vor.u32 v0, v4;
	_ =	sdelay $0x1  }
0x7e: {  	v1 =	vmul.f32 v2, v1;
	v2 =	vor.u32 $0x1, v3  }
0x7f: {  	s18 =	simm.s32 $0x9010  }
0x80: {  	[tilespmem:s18+$0xFFFFFFF0] =	vst v1  }
0x81: {  	v1 =	vld.idx.msk [tilespmem:v3+s20+$0x0], $0xffff  }
0x82: {  	v5 =	vor.u32 $0x2, v3;
	v4 =	vld.idx.msk [tilespmem:v3+s21+$0x0], $0xffff  }
0x83: {  	v6 =	vld.idx.msk [tilespmem:v2+s21+$0x0], $0xffff  }
0x84: {  	v2 =	vld.idx.msk [tilespmem:v2+s20+$0x0], $0xffff;
	_ =	sdelay $0x1  }
0x85: {  	v7 =	vor.u32 $0x3, v3;
	v47 =	vshll.u32 v1, $0x10  }
0x86: {  	v48 =	vld.idx.msk [tilespmem:v5+s21+$0x0], $0xffff;
	v49 =	vshll.u32 v4, $0x10;
	v1 =	vand.u32 $0xFFFF0000, v1;
	v4 =	vand.u32 $0xFFFF0000, v4  }
0x87: {  	v5 =	vld.idx.msk [tilespmem:v5+s20+$0x0], $0xffff;
	v8 =	vsub.f32 v47, v49;
	v1 =	vsub.f32 v1, v4  }
0x88: {  	v51 =	vor.u32 $0x4, v3;
	v4 =	vshll.u32 v6, $0x10;
	v50 =	vshll.u32 v2, $0x10  }
0x89: {  	v8 =	vmul.f32 v8, v8;
	v1 =	vmul.f32 v1, v1;
	v4 =	vsub.f32 v50, v4  }
0x8a: {  	v52 =	vld.idx.msk [tilespmem:v7+s21+$0x0], $0xffff;
	v2 =	vand.u32 $0xFFFF0000, v2;
	v6 =	vand.u32 $0xFFFF0000, v6  }
0x8b: {  	v7 =	vld.idx.msk [tilespmem:v7+s20+$0x0], $0xffff;
	v2 =	vsub.f32 v2, v6;
	v1 =	vadd.f32 v1, v8;
	v4 =	vmul.f32 v4, v4  }
0x8c: {  	v53 =	vshll.u32 v5, $0x10;
	v54 =	vshll.u32 v48, $0x10;
	v6 =	vor.u32 $0x5, v3  }
0x8d: {  	v2 =	vmul.f32 v2, v2;
	v1 =	vadd.f32 v4, v1;
	v4 =	vsub.f32 v53, v54  }
0x8e: {  	v55 =	vld.idx.msk [tilespmem:v51+s21+$0x0], $0xffff;
	v5 =	vand.u32 $0xFFFF0000, v5;
	v9 =	vand.u32 $0xFFFF0000, v48  }
0x8f: {  	v11 =	vld.idx.msk [tilespmem:v51+s20+$0x0], $0xffff;
	v1 =	vadd.f32 v1, v2;
	v2 =	vsub.f32 v5, v9;
	v4 =	vmul.f32 v4, v4  }
0x90: {  	v56 =	vshll.u32 v7, $0x10;
	v57 =	vshll.u32 v52, $0x10;
	v5 =	vor.u32 $0x6, v3  }
0x91: {  	v1 =	vadd.f32 v4, v1;
	v2 =	vmul.f32 v2, v2;
	v4 =	vsub.f32 v56, v57  }
0x92: {  	v7 =	vand.u32 $0xFFFF0000, v7;
	v10 =	vand.u32 $0xFFFF0000, v52;
	v58 =	vld.idx.msk [tilespmem:v6+s21+$0x0], $0xffff  }
0x93: {  	v6 =	vld.idx.msk [tilespmem:v6+s20+$0x0], $0xffff;
	v1 =	vadd.f32 v1, v2;
	v2 =	vsub.f32 v7, v10;
	v4 =	vmul.f32 v4, v4  }
0x94: {  	v59 =	vshll.u32 v55, $0x10;
	v3 =	vor.u32 $0x7, v3;
	v7 =	vshll.u32 v11, $0x10  }
0x95: {  	v1 =	vadd.f32 v4, v1;
	v2 =	vmul.f32 v2, v2;
	v4 =	vsub.f32 v7, v59  }
0x96: {  	v8 =	vand.u32 $0xFFFF0000, v55;
	v60 =	vld.idx.msk [tilespmem:v5+s21+$0x0], $0xffff;
	v7 =	vand.u32 $0xFFFF0000, v11  }
0x97: {  	v5 =	vld.idx.msk [tilespmem:v5+s20+$0x0], $0xffff;
	v1 =	vadd.f32 v1, v2;
	v2 =	vsub.f32 v7, v8;
	v4 =	vmul.f32 v4, v4  }
0x98: {  	v61 =	vshll.u32 v58, $0x10;
	v7 =	vshll.u32 v6, $0x10  }
0x99: {  	v1 =	vadd.f32 v4, v1;
	v2 =	vmul.f32 v2, v2;
	v4 =	vsub.f32 v7, v61  }
0x9a: {  	v62 =	vand.u32 $0xFFFF0000, v58;
	v6 =	vand.u32 $0xFFFF0000, v6;
	v7 =	vld.idx.msk [tilespmem:v3+s21+$0x0], $0xffff  }
0x9b: {  	v3 =	vld.idx.msk [tilespmem:v3+s20+$0x0], $0xffff;
	v1 =	vadd.f32 v1, v2;
	v2 =	vsub.f32 v6, v62;
	v4 =	vmul.f32 v4, v4  }
0x9c: {  	v63 =	vshll.u32 v60, $0x10;
	v6 =	vshll.u32 v5, $0x10  }
0x9d: {  	v1 =	vadd.f32 v4, v1;
	v2 =	vmul.f32 v2, v2;
	v4 =	vsub.f32 v6, v63  }
0x9e: {  	v5 =	vand.u32 $0xFFFF0000, v5;
	v6 =	vand.u32 $0xFFFF0000, v60  }
0x9f: {  	v1 =	vadd.f32 v1, v2;
	v2 =	vsub.f32 v5, v6;
	v4 =	vmul.f32 v4, v4  }
0xa0: {  	v5 =	vshll.u32 v3, $0x10;
	v6 =	vshll.u32 v7, $0x10  }
0xa1: {  	v1 =	vadd.f32 v4, v1;
	v2 =	vmul.f32 v2, v2;
	v4 =	vsub.f32 v5, v6  }
0xa2: {  	v3 =	vand.u32 $0xFFFF0000, v3;
	v5 =	vand.u32 $0xFFFF0000, v7  }
0xa3: {  	v1 =	vadd.f32 v1, v2;
	v2 =	vsub.f32 v3, v5;
	v3 =	vmul.f32 v4, v4;
	_ =	sdelay $0x1  }
0xa4: {  	v1 =	vadd.f32 v3, v1;
	v2 =	vmul.f32 v2, v2;
	_ =	sdelay $0x1  }
0xa5: {  	v1 =	vadd.f32 v1, v2;
	_ =	sdelay $0x1  }
0xa6: {  	v2 =	vadd.f32 $9.999999960e-13, v1;
	_ =	sdelay $0x1  }
0xa7: {  	v1 =	vshra.s32 v2, $0x1;
	v4 =	vmul.f32 $5.000000000e-01, v2  }
0xa8: {  	v1 =	vsub.s32 $0x5F3759DF, v1  }
0xa9: {  	v3 =	vmul.f32 v1, v4;
	_ =	sdelay $0x1  }
0xaa: {  	v3 =	vmul.f32 v1, v3;
	_ =	sdelay $0x1  }
0xab: {  	v3 =	vsub.f32 $1.500000000e+00, v3;
	_ =	sdelay $0x1  }
0xac: {  	v3 =	vmul.f32 v1, v3;
	_ =	sdelay $0x1  }
0xad: {  	v1 =	vmul.f32 v3, v4  }
0xae: {  	s7 =	simm.s32 $0x20  }
0xaf: {  	v4 =	vmov s7;
	v5 =	vmul.f32 v1, v3  }
0xb0: {  	v1 =	vshll.u32 v4, $0x3  }
0xb1: {  	s8 =	simm.s32 $0x9010;
	s9 =	simm.s32 $0x40;
	v1 =	vor.u32 v0, v1;
	v4 =	vsub.f32 $1.500000000e+00, v5  }
.LBB2_3:
0xb2: {  	p3 =	sne.s32 s9, $0x3E0  }
0xb3: {  	s18 =	sadd.s32 $0x20, s18;
	s10 =	smov.u32 s9;
	s9 =	sadd.s32 $0x20, s9  }
0xb4: {  	v5 =	vor.u32 $0x1, v1;
	v3 =	vmul.f32 v4, v3;
	_ =	sdelay $0x1  }
0xb5: {  	v2 =	vmul.f32 v3, v2;
	_ =	sdelay $0x1  }
0xb6: {  	[tilespmem:s8+$0x0] =	vst v2;
	s8 =	smov.u32 s18  }
0xb7: {  	v3 =	vor.u32 $0x2, v1;
	v2 =	vld.idx.msk [tilespmem:v1+s21+$0x0], $0xffff  }
0xb8: {  	v4 =	vld.idx.msk [tilespmem:v1+s20+$0x0], $0xffff  }
0xb9: {  	v6 =	vld.idx.msk [tilespmem:v5+s20+$0x0], $0xffff;
	_ =	sdelay $0x1  }
0xba: {  	v5 =	vld.idx.msk [tilespmem:v5+s21+$0x0], $0xffff  }
0xbb: {  	v8 =	vor.u32 $0x3, v1;
	v7 =	vld.idx.msk [tilespmem:v3+s20+$0x0], $0xffff  }
0xbc: {  	v9 =	vand.u32 $0xFFFF0000, v2;
	v3 =	vld.idx.msk [tilespmem:v3+s21+$0x0], $0xffff  }
0xbd: {  	v2 =	vshll.u32 v2, $0x10;
	v10 =	vshll.u32 v4, $0x10;
	v4 =	vand.u32 $0xFFFF0000, v4  }
0xbe: {  	v2 =	vsub.f32 v10, v2;
	v4 =	vsub.f32 v4, v9  }
0xbf: {  	v9 =	vshll.u32 v6, $0x10  }
0xc0: {  	v12 =	vor.u32 $0x4, v1;
	v2 =	vmul.f32 v2, v2;
	v10 =	vshll.u32 v5, $0x10;
	v11 =	vld.idx.msk [tilespmem:v8+s20+$0x0], $0xffff  }
0xc1: {  	v4 =	vmul.f32 v4, v4;
	v5 =	vand.u32 $0xFFFF0000, v5;
	v9 =	vsub.f32 v9, v10;
	v8 =	vld.idx.msk [tilespmem:v8+s21+$0x0], $0xffff  }
0xc2: {  	v6 =	vand.u32 $0xFFFF0000, v6;
	v10 =	vshll.u32 v3, $0x10;
	v3 =	vand.u32 $0xFFFF0000, v3  }
0xc3: {  	v2 =	vadd.f32 v4, v2;
	v4 =	vsub.f32 v6, v5;
	v5 =	vmul.f32 v9, v9  }
0xc4: {  	v6 =	vshll.u32 v7, $0x10;
	v7 =	vand.u32 $0xFFFF0000, v7;
	v9 =	vor.u32 $0x5, v1  }
0xc5: {  	v4 =	vmul.f32 v4, v4;
	v2 =	vadd.f32 v5, v2;
	v5 =	vsub.f32 v6, v10;
	v6 =	vld.idx.msk [tilespmem:v12+s20+$0x0], $0xffff  }
0xc6: {  	v3 =	vsub.f32 v7, v3;
	v7 =	vshll.u32 v11, $0x10;
	v10 =	vld.idx.msk [tilespmem:v12+s21+$0x0], $0xffff;
	v12 =	vor.u32 $0x6, v1  }
0xc7: {  	v2 =	vadd.f32 v2, v4;
	v4 =	vmul.f32 v5, v5;
	v5 =	vshll.u32 v8, $0x10  }
0xc8: {  	v11 =	vand.u32 $0xFFFF0000, v11;
	v8 =	vand.u32 $0xFFFF0000, v8;
	v5 =	vsub.f32 v7, v5  }
0xc9: {  	v3 =	vmul.f32 v3, v3;
	v2 =	vadd.f32 v4, v2;
	v4 =	vsub.f32 v11, v8;
	v7 =	vld.idx.msk [tilespmem:v9+s21+$0x0], $0xffff  }
0xca: {  	v1 =	vor.u32 $0x7, v1;
	v8 =	vld.idx.msk [tilespmem:v9+s20+$0x0], $0xffff  }
0xcb: {  	v2 =	vadd.f32 v2, v3;
	v3 =	vmul.f32 v5, v5;
	v4 =	vmul.f32 v4, v4  }
0xcc: {  	v5 =	vshll.u32 v6, $0x10;
	v9 =	vshll.u32 v10, $0x10;
	v10 =	vand.u32 $0xFFFF0000, v10  }
0xcd: {  	v2 =	vadd.f32 v3, v2;
	v3 =	vand.u32 $0xFFFF0000, v6;
	v5 =	vsub.f32 v5, v9;
	v6 =	vld.idx.msk [tilespmem:v12+s21+$0x0], $0xffff  }
0xce: {  	v3 =	vsub.f32 v3, v10;
	v9 =	vld.idx.msk [tilespmem:v12+s20+$0x0], $0xffff  }
0xcf: {  	v2 =	vadd.f32 v2, v4;
	v4 =	vmul.f32 v5, v5;
	v5 =	vand.u32 $0xFFFF0000, v7  }
0xd0: {  	v7 =	vshll.u32 v7, $0x10;
	v10 =	vshll.u32 v8, $0x10;
	v8 =	vand.u32 $0xFFFF0000, v8  }
0xd1: {  	v3 =	vmul.f32 v3, v3;
	v2 =	vadd.f32 v4, v2;
	v4 =	vsub.f32 v10, v7;
	v7 =	vld.idx.msk [tilespmem:v1+s21+$0x0], $0xffff  }
0xd2: {  	v5 =	vsub.f32 v8, v5;
	v1 =	vld.idx.msk [tilespmem:v1+s20+$0x0], $0xffff  }
0xd3: {  	v2 =	vadd.f32 v2, v3;
	v3 =	vmul.f32 v4, v4;
	v4 =	vand.u32 $0xFFFF0000, v6  }
0xd4: {  	v6 =	vshll.u32 v6, $0x10;
	v8 =	vshll.u32 v9, $0x10;
	v9 =	vand.u32 $0xFFFF0000, v9  }
0xd5: {  	v2 =	vadd.f32 v3, v2;
	v3 =	vmul.f32 v5, v5;
	v5 =	vsub.f32 v8, v6  }
0xd6: {  	v4 =	vsub.f32 v9, v4  }
0xd7: {  	v2 =	vadd.f32 v2, v3;
	v3 =	vmul.f32 v5, v5;
	v5 =	vand.u32 $0xFFFF0000, v7  }
0xd8: {  	v4 =	vmul.f32 v4, v4;
	v7 =	vshll.u32 v7, $0x10;
	v6 =	vshll.u32 v1, $0x10  }
0xd9: {  	v1 =	vand.u32 $0xFFFF0000, v1;
	v2 =	vadd.f32 v3, v2;
	v3 =	vsub.f32 v6, v7  }
0xda: {  	v1 =	vsub.f32 v1, v5  }
0xdb: {  	v2 =	vadd.f32 v2, v4;
	v3 =	vmul.f32 v3, v3  }
0xdc: {  	v1 =	vmul.f32 v1, v1  }
0xdd: {  	v2 =	vadd.f32 v3, v2;
	_ =	sdelay $0x1  }
0xde: {  	v1 =	vadd.f32 v2, v1;
	_ =	sdelay $0x1  }
0xdf: {  	v1 =	vadd.f32 $9.999999960e-13, v1;
	_ =	sdelay $0x1  }
0xe0: {  	v2 =	vshra.s32 v1, $0x1;
	v3 =	vmul.f32 $5.000000000e-01, v1  }
0xe1: {  	v2 =	vsub.s32 $0x5F3759DF, v2  }
0xe2: {  	v4 =	vmul.f32 v2, v3;
	_ =	sdelay $0x1  }
0xe3: {  	v4 =	vmul.f32 v2, v4;
	_ =	sdelay $0x1  }
0xe4: {  	v4 =	vsub.f32 $1.500000000e+00, v4;
	_ =	sdelay $0x1  }
0xe5: {  	v2 =	vmul.f32 v2, v4;
	_ =	sdelay $0x1  }
0xe6: {  	v3 =	vmul.f32 v2, v3;
	_ =	sdelay $0x1  }
0xe7: {  	v3 =	vmul.f32 v3, v2  }
0xe8: {  	s14 =	sadd.s32 $0x10, s7;
	s7 =	smov.u32 s10  }
0xe9: {  	v4 =	vmov s14;
	v3 =	vsub.f32 $1.500000000e+00, v3  }
0xea: {  	v4 =	vshll.u32 v4, $0x3  }
0xeb: {  	v2 =	vmul.f32 v3, v2;
	v3 =	vor.u32 v0, v4;
	_ =	sdelay $0x1  }
0xec: {  	v1 =	vmul.f32 v2, v1;
	v2 =	vor.u32 $0x1, v3;
	_ =	sdelay $0x1  }
0xed: {  	[tilespmem:s18+$0xFFFFFFF0] =	vst v1  }
0xee: {  	v1 =	vld.idx.msk [tilespmem:v3+s20+$0x0], $0xffff  }
0xef: {  	v5 =	vor.u32 $0x2, v3;
	v4 =	vld.idx.msk [tilespmem:v3+s21+$0x0], $0xffff  }
0xf0: {  	v6 =	vld.idx.msk [tilespmem:v2+s21+$0x0], $0xffff  }
0xf1: {  	v2 =	vld.idx.msk [tilespmem:v2+s20+$0x0], $0xffff;
	_ =	sdelay $0x1  }
0xf2: {  	v7 =	vor.u32 $0x3, v3  }
0xf3: {  	v8 =	vshll.u32 v1, $0x10;
	v9 =	vld.idx.msk [tilespmem:v5+s21+$0x0], $0xffff  }
0xf4: {  	v1 =	vand.u32 $0xFFFF0000, v1;
	v10 =	vshll.u32 v4, $0x10;
	v4 =	vand.u32 $0xFFFF0000, v4;
	v5 =	vld.idx.msk [tilespmem:v5+s20+$0x0], $0xffff  }
0xf5: {  	v8 =	vsub.f32 v8, v10;
	v1 =	vsub.f32 v1, v4;
	v4 =	vshll.u32 v6, $0x10  }
0xf6: {  	v11 =	vor.u32 $0x4, v3;
	v10 =	vshll.u32 v2, $0x10;
	v2 =	vand.u32 $0xFFFF0000, v2  }
0xf7: {  	v8 =	vmul.f32 v8, v8;
	v1 =	vmul.f32 v1, v1;
	v4 =	vsub.f32 v10, v4;
	v10 =	vld.idx.msk [tilespmem:v7+s21+$0x0], $0xffff  }
0xf8: {  	v12 =	vor.u32 $0x5, v3;
	v6 =	vand.u32 $0xFFFF0000, v6;
	v7 =	vld.idx.msk [tilespmem:v7+s20+$0x0], $0xffff  }
0xf9: {  	v2 =	vsub.f32 v2, v6;
	v1 =	vadd.f32 v1, v8;
	v4 =	vmul.f32 v4, v4  }
0xfa: {  	v8 =	vshll.u32 v9, $0x10;
	v6 =	vshll.u32 v5, $0x10;
	v5 =	vand.u32 $0xFFFF0000, v5  }
0xfb: {  	v2 =	vmul.f32 v2, v2;
	v1 =	vadd.f32 v4, v1;
	v4 =	vsub.f32 v6, v8;
	v6 =	vld.idx.msk [tilespmem:v11+s21+$0x0], $0xffff  }
0xfc: {  	v8 =	vand.u32 $0xFFFF0000, v9;
	v9 =	vld.idx.msk [tilespmem:v11+s20+$0x0], $0xffff;
	v11 =	vor.u32 $0x6, v3  }
0xfd: {  	v1 =	vadd.f32 v1, v2;
	v2 =	vsub.f32 v5, v8;
	v4 =	vmul.f32 v4, v4  }
0xfe: {  	v8 =	vshll.u32 v10, $0x10;
	v5 =	vshll.u32 v7, $0x10;
	v7 =	vand.u32 $0xFFFF0000, v7  }
0xff: {  	v1 =	vadd.f32 v4, v1;
	v2 =	vmul.f32 v2, v2;
	v4 =	vsub.f32 v5, v8;
	v5 =	vld.idx.msk [tilespmem:v12+s21+$0x0], $0xffff  }
0x100: {  	v3 =	vor.u32 $0x7, v3;
	v8 =	vand.u32 $0xFFFF0000, v10;
	v10 =	vld.idx.msk [tilespmem:v12+s20+$0x0], $0xffff  }
0x101: {  	v1 =	vadd.f32 v1, v2;
	v2 =	vsub.f32 v7, v8;
	v4 =	vmul.f32 v4, v4  }
0x102: {  	v8 =	vshll.u32 v6, $0x10;
	v7 =	vshll.u32 v9, $0x10;
	v9 =	vand.u32 $0xFFFF0000, v9  }
0x103: {  	v1 =	vadd.f32 v4, v1;
	v2 =	vmul.f32 v2, v2;
	v4 =	vsub.f32 v7, v8;
	v7 =	vld.idx.msk [tilespmem:v11+s21+$0x0], $0xffff  }
0x104: {  	v6 =	vand.u32 $0xFFFF0000, v6;
	v8 =	vld.idx.msk [tilespmem:v11+s20+$0x0], $0xffff  }
0x105: {  	v1 =	vadd.f32 v1, v2;
	v2 =	vsub.f32 v9, v6;
	v4 =	vmul.f32 v4, v4  }
0x106: {  	v9 =	vshll.u32 v5, $0x10;
	v6 =	vshll.u32 v10, $0x10;
	v10 =	vand.u32 $0xFFFF0000, v10  }
0x107: {  	v1 =	vadd.f32 v4, v1;
	v2 =	vmul.f32 v2, v2;
	v4 =	vsub.f32 v6, v9;
	v6 =	vld.idx.msk [tilespmem:v3+s21+$0x0], $0xffff  }
0x108: {  	v5 =	vand.u32 $0xFFFF0000, v5;
	v3 =	vld.idx.msk [tilespmem:v3+s20+$0x0], $0xffff  }
0x109: {  	v1 =	vadd.f32 v1, v2;
	v2 =	vsub.f32 v10, v5;
	v4 =	vmul.f32 v4, v4  }
0x10a: {  	v9 =	vshll.u32 v7, $0x10;
	v5 =	vshll.u32 v8, $0x10;
	v8 =	vand.u32 $0xFFFF0000, v8  }
0x10b: {  	v1 =	vadd.f32 v4, v1;
	v2 =	vmul.f32 v2, v2;
	v4 =	vsub.f32 v5, v9  }
0x10c: {  	v5 =	vand.u32 $0xFFFF0000, v7  }
0x10d: {  	v1 =	vadd.f32 v1, v2;
	v2 =	vsub.f32 v8, v5;
	v4 =	vmul.f32 v4, v4  }
0x10e: {  	v7 =	vshll.u32 v6, $0x10;
	v5 =	vshll.u32 v3, $0x10;
	v3 =	vand.u32 $0xFFFF0000, v3  }
0x10f: {  	v1 =	vadd.f32 v4, v1;
	v2 =	vmul.f32 v2, v2;
	v4 =	vsub.f32 v5, v7  }
0x110: {  	v5 =	vand.u32 $0xFFFF0000, v6  }
0x111: {  	v1 =	vadd.f32 v1, v2;
	v2 =	vsub.f32 v3, v5;
	v3 =	vmul.f32 v4, v4;
	_ =	sdelay $0x1  }
0x112: {  	v1 =	vadd.f32 v3, v1;
	v2 =	vmul.f32 v2, v2;
	_ =	sdelay $0x1  }
0x113: {  	v1 =	vadd.f32 v1, v2;
	_ =	sdelay $0x1  }
0x114: {  	v2 =	vadd.f32 $9.999999960e-13, v1;
	_ =	sdelay $0x1  }
0x115: {  	v1 =	vshra.s32 v2, $0x1;
	v4 =	vmul.f32 $5.000000000e-01, v2  }
0x116: {  	v1 =	vsub.s32 $0x5F3759DF, v1  }
0x117: {  	v3 =	vmul.f32 v1, v4;
	_ =	sdelay $0x1  }
0x118: {  	v3 =	vmul.f32 v1, v3;
	_ =	sdelay $0x1  }
0x119: {  	v3 =	vsub.f32 $1.500000000e+00, v3;
	_ =	sdelay $0x1  }
0x11a: {  	v3 =	vmul.f32 v1, v3;
	_ =	sdelay $0x1  }
.Ltmp4:
0x11b: {  	v1 =	vmul.f32 v3, v4;
	(pc) =	sbr.rel @p3 .LBB2_3-.Ltmp4, $4  }
0x11c: {  	_ = 	snop  }
0x11d: {  	v4 =	vmov s7;
	v5 =	vmul.f32 v1, v3  }
0x11e: {  	v1 =	vshll.u32 v4, $0x3  }
0x11f: {  	v1 =	vor.u32 v0, v1;
	v4 =	vsub.f32 $1.500000000e+00, v5  }
0x120: {  	_ = 	snop  }
0x121: {  	v3 =	vmul.f32 v4, v3;
	_ =	sdelay $0x1  }
0x122: {  	v2 =	vmul.f32 v3, v2;
	v3 =	vor.u32 $0x1, v1;
	_ =	sdelay $0x1  }
0x123: {  	[tilespmem:s8+$0x0] =	vst v2  }
0x124: {  	v42 =	vld.idx.msk [tilespmem:v1+s20+$0x0], $0xffff  }
0x125: {  	v5 =	vor.u32 $0x2, v1;
	v2 =	vld.idx.msk [tilespmem:v1+s21+$0x0], $0xffff  }
0x126: {  	v6 =	vld.idx.msk [tilespmem:v3+s20+$0x0], $0xffff  }
0x127: {  	v3 =	vld.idx.msk [tilespmem:v3+s21+$0x0], $0xffff;
	_ =	sdelay $0x1  }
0x128: {  	v7 =	vor.u32 $0x3, v1;
	v8 =	vshll.u32 v42, $0x10  }
0x129: {  	v10 =	vld.idx.msk [tilespmem:v5+s20+$0x0], $0xffff;
	v9 =	vshll.u32 v2, $0x10;
	v2 =	vand.u32 $0xFFFF0000, v2;
	v4 =	vand.u32 $0xFFFF0000, v42  }
0x12a: {  	v5 =	vld.idx.msk [tilespmem:v5+s21+$0x0], $0xffff;
	v8 =	vsub.f32 v8, v9;
	v2 =	vsub.f32 v4, v2  }
0x12b: {  	v11 =	vor.u32 $0x4, v1;
	v43 =	vshll.u32 v6, $0x10;
	v44 =	vshll.u32 v3, $0x10  }
0x12c: {  	v8 =	vmul.f32 v8, v8;
	v2 =	vmul.f32 v2, v2;
	v4 =	vsub.f32 v43, v44  }
0x12d: {  	v45 =	vld.idx.msk [tilespmem:v7+s20+$0x0], $0xffff;
	v3 =	vand.u32 $0xFFFF0000, v3;
	v6 =	vand.u32 $0xFFFF0000, v6  }
0x12e: {  	v7 =	vld.idx.msk [tilespmem:v7+s21+$0x0], $0xffff;
	v3 =	vsub.f32 v6, v3;
	v2 =	vadd.f32 v2, v8;
	v4 =	vmul.f32 v4, v4  }
0x12f: {  	v12 =	vor.u32 $0x5, v1;
	v46 =	vshll.u32 v5, $0x10;
	v47 =	vshll.u32 v10, $0x10  }
0x130: {  	v48 =	vsub.f32 v47, v46;
	v3 =	vmul.f32 v3, v3;
	v2 =	vadd.f32 v4, v2  }
0x131: {  	v50 =	vld.idx.msk [tilespmem:v11+s20+$0x0], $0xffff;
	v5 =	vand.u32 $0xFFFF0000, v5;
	v49 =	vand.u32 $0xFFFF0000, v10  }
0x132: {  	v51 =	vld.idx.msk [tilespmem:v11+s21+$0x0], $0xffff;
	v5 =	vsub.f32 v49, v5;
	v2 =	vadd.f32 v2, v3;
	v3 =	vmul.f32 v48, v48  }
0x133: {  	v53 =	vor.u32 $0x6, v1;
	v52 =	vshll.u32 v45, $0x10;
	v54 =	vshll.u32 v7, $0x10  }
0x134: {  	v4 =	vsub.f32 v52, v54;
	v2 =	vadd.f32 v3, v2;
	v3 =	vmul.f32 v5, v5  }
0x135: {  	v56 =	vld.idx.msk [tilespmem:v12+s21+$0x0], $0xffff;
	v55 =	vand.u32 $0xFFFF0000, v45;
	v7 =	vand.u32 $0xFFFF0000, v7  }
0x136: {  	v57 =	vld.idx.msk [tilespmem:v12+s20+$0x0], $0xffff;
	v5 =	vsub.f32 v55, v7;
	v2 =	vadd.f32 v2, v3;
	v3 =	vmul.f32 v4, v4  }
0x137: {  	v1 =	vor.u32 $0x7, v1;
	v58 =	vshll.u32 v50, $0x10;
	v59 =	vshll.u32 v51, $0x10  }
0x138: {  	v5 =	vmul.f32 v5, v5;
	v2 =	vadd.f32 v3, v2;
	v3 =	vsub.f32 v58, v59  }
0x139: {  	v62 =	vld.idx.msk [tilespmem:v53+s21+$0x0], $0xffff;
	v60 =	vand.u32 $0xFFFF0000, v51;
	v61 =	vand.u32 $0xFFFF0000, v50  }
0x13a: {  	v63 =	vld.idx.msk [tilespmem:v53+s20+$0x0], $0xffff;
	v4 =	vsub.f32 v61, v60;
	v2 =	vadd.f32 v2, v5;
	v3 =	vmul.f32 v3, v3  }
0x13b: {  	v12 =	vshll.u32 v57, $0x10;
	v13 =	vshll.u32 v56, $0x10  }
0x13c: {  	v14 =	vsub.f32 v12, v13;
	v2 =	vadd.f32 v3, v2;
	v3 =	vmul.f32 v4, v4  }
0x13d: {  	v15 =	vand.u32 $0xFFFF0000, v56;
	v16 =	vld.idx.msk [tilespmem:v1+s21+$0x0], $0xffff;
	v7 =	vand.u32 $0xFFFF0000, v57  }
0x13e: {  	v1 =	vld.idx.msk [tilespmem:v1+s20+$0x0], $0xffff;
	v5 =	vsub.f32 v7, v15;
	v2 =	vadd.f32 v2, v3;
	v3 =	vmul.f32 v14, v14  }
0x13f: {  	v17 =	vshll.u32 v63, $0x10;
	v18 =	vshll.u32 v62, $0x10  }
0x140: {  	v4 =	vsub.f32 v17, v18;
	v2 =	vadd.f32 v3, v2;
	v3 =	vmul.f32 v5, v5  }
0x141: {  	v19 =	vand.u32 $0xFFFF0000, v62;
	v6 =	vand.u32 $0xFFFF0000, v63  }
0x142: {  	v5 =	vsub.f32 v6, v19;
	v2 =	vadd.f32 v2, v3;
	v3 =	vmul.f32 v4, v4  }
0x143: {  	v20 =	vshll.u32 v1, $0x10;
	v21 =	vshll.u32 v16, $0x10  }
0x144: {  	v5 =	vmul.f32 v5, v5;
	v2 =	vadd.f32 v3, v2;
	v3 =	vsub.f32 v20, v21  }
0x145: {  	v22 =	vand.u32 $0xFFFF0000, v16;
	v1 =	vand.u32 $0xFFFF0000, v1  }
0x146: {  	v1 =	vsub.f32 v1, v22;
	v2 =	vadd.f32 v2, v5;
	v3 =	vmul.f32 v3, v3;
	_ =	sdelay $0x1  }
0x147: {  	v1 =	vmul.f32 v1, v1;
	v2 =	vadd.f32 v3, v2;
	_ =	sdelay $0x1  }
0x148: {  	v1 =	vadd.f32 v2, v1;
	_ =	sdelay $0x1  }
0x149: {  	v1 =	vadd.f32 $9.999999960e-13, v1;
	_ =	sdelay $0x1  }
0x14a: {  	v2 =	vshra.s32 v1, $0x1;
	v3 =	vmul.f32 $5.000000000e-01, v1  }
0x14b: {  	v2 =	vsub.s32 $0x5F3759DF, v2  }
0x14c: {  	v23 =	vmul.f32 v2, v3;
	_ =	sdelay $0x1  }
0x14d: {  	v4 =	vmul.f32 v2, v23;
	_ =	sdelay $0x1  }
0x14e: {  	v4 =	vsub.f32 $1.500000000e+00, v4;
	_ =	sdelay $0x1  }
0x14f: {  	v2 =	vmul.f32 v2, v4;
	_ =	sdelay $0x1  }
0x150: {  	v3 =	vmul.f32 v2, v3;
	_ =	sdelay $0x1  }
0x151: {  	v3 =	vmul.f32 v3, v2  }
0x152: {  	s7 =	sadd.s32 $0x10, s7  }
0x153: {  	v24 =	vmov s7;
	v3 =	vsub.f32 $1.500000000e+00, v3  }
0x154: {  	v4 =	vshll.u32 v24, $0x3  }
0x155: {  	v2 =	vmul.f32 v3, v2;
	v3 =	vor.u32 v0, v4;
	_ =	sdelay $0x1  }
0x156: {  	v1 =	vmul.f32 v2, v1;
	v2 =	vor.u32 $0x1, v3  }
0x157: {  	s10 =	sadd.s32 $0x20, s18  }
0x158: {  	[tilespmem:s10+$0xFFFFFFF0] =	vst v1  }
0x159: {  	v1 =	vld.idx.msk [tilespmem:v3+s20+$0x0], $0xffff  }
0x15a: {  	v25 =	vor.u32 $0x2, v3;
	v4 =	vld.idx.msk [tilespmem:v3+s21+$0x0], $0xffff  }
0x15b: {  	v26 =	vld.idx.msk [tilespmem:v2+s21+$0x0], $0xffff  }
0x15c: {  	v2 =	vld.idx.msk [tilespmem:v2+s20+$0x0], $0xffff;
	_ =	sdelay $0x1  }
0x15d: {  	v27 =	vor.u32 $0x3, v3;
	v28 =	vshll.u32 v1, $0x10  }
0x15e: {  	v29 =	vld.idx.msk [tilespmem:v25+s21+$0x0], $0xffff;
	v30 =	vshll.u32 v4, $0x10;
	v1 =	vand.u32 $0xFFFF0000, v1;
	v4 =	vand.u32 $0xFFFF0000, v4  }
0x15f: {  	v5 =	vld.idx.msk [tilespmem:v25+s20+$0x0], $0xffff;
	v8 =	vsub.f32 v28, v30;
	v1 =	vsub.f32 v1, v4  }
0x160: {  	v33 =	vor.u32 $0x4, v3;
	v31 =	vshll.u32 v26, $0x10;
	v32 =	vshll.u32 v2, $0x10  }
0x161: {  	v8 =	vmul.f32 v8, v8;
	v1 =	vmul.f32 v1, v1;
	v4 =	vsub.f32 v32, v31  }
0x162: {  	v34 =	vld.idx.msk [tilespmem:v27+s21+$0x0], $0xffff;
	v2 =	vand.u32 $0xFFFF0000, v2;
	v6 =	vand.u32 $0xFFFF0000, v26  }
0x163: {  	v7 =	vld.idx.msk [tilespmem:v27+s20+$0x0], $0xffff;
	v2 =	vsub.f32 v2, v6;
	v1 =	vadd.f32 v1, v8;
	v4 =	vmul.f32 v4, v4  }
0x164: {  	v35 =	vor.u32 $0x5, v3;
	v36 =	vshll.u32 v5, $0x10;
	v37 =	vshll.u32 v29, $0x10  }
0x165: {  	v38 =	vsub.f32 v36, v37;
	v2 =	vmul.f32 v2, v2;
	v1 =	vadd.f32 v4, v1  }
0x166: {  	v39 =	vld.idx.msk [tilespmem:v33+s21+$0x0], $0xffff;
	v5 =	vand.u32 $0xFFFF0000, v5;
	v9 =	vand.u32 $0xFFFF0000, v29  }
0x167: {  	v11 =	vld.idx.msk [tilespmem:v33+s20+$0x0], $0xffff;
	v4 =	vmul.f32 v38, v38;
	v1 =	vadd.f32 v1, v2;
	v2 =	vsub.f32 v5, v9  }
0x168: {  	v40 =	vor.u32 $0x6, v3;
	v41 =	vshll.u32 v7, $0x10;
	v42 =	vshll.u32 v34, $0x10  }
0x169: {  	v43 =	vsub.f32 v41, v42;
	v1 =	vadd.f32 v4, v1;
	v2 =	vmul.f32 v2, v2  }
0x16a: {  	v44 =	vld.idx.msk [tilespmem:v35+s21+$0x0], $0xffff;
	v7 =	vand.u32 $0xFFFF0000, v7;
	v10 =	vand.u32 $0xFFFF0000, v34  }
0x16b: {  	v6 =	vld.idx.msk [tilespmem:v35+s20+$0x0], $0xffff;
	v4 =	vmul.f32 v43, v43;
	v1 =	vadd.f32 v1, v2;
	v2 =	vsub.f32 v7, v10  }
0x16c: {  	v3 =	vor.u32 $0x7, v3;
	v45 =	vshll.u32 v11, $0x10;
	v46 =	vshll.u32 v39, $0x10  }
0x16d: {  	v47 =	vsub.f32 v45, v46;
	v1 =	vadd.f32 v4, v1;
	v2 =	vmul.f32 v2, v2  }
0x16e: {  	v49 =	vld.idx.msk [tilespmem:v40+s21+$0x0], $0xffff;
	v48 =	vand.u32 $0xFFFF0000, v11;
	v8 =	vand.u32 $0xFFFF0000, v39  }
0x16f: {  	v5 =	vld.idx.msk [tilespmem:v40+s20+$0x0], $0xffff;
	v4 =	vmul.f32 v47, v47;
	v1 =	vadd.f32 v1, v2;
	v2 =	vsub.f32 v48, v8  }
0x170: {  	v51 =	vshll.u32 v44, $0x10;
	v50 =	vshll.u32 v6, $0x10  }
0x171: {  	v52 =	vsub.f32 v50, v51;
	v1 =	vadd.f32 v4, v1;
	v2 =	vmul.f32 v2, v2  }
0x172: {  	v53 =	vld.idx.msk [tilespmem:v3+s21+$0x0], $0xffff;
	v54 =	vand.u32 $0xFFFF0000, v44;
	v6 =	vand.u32 $0xFFFF0000, v6  }
0x173: {  	v3 =	vld.idx.msk [tilespmem:v3+s20+$0x0], $0xffff;
	v4 =	vmul.f32 v52, v52;
	v1 =	vadd.f32 v1, v2;
	v2 =	vsub.f32 v6, v54  }
0x174: {  	v56 =	vshll.u32 v49, $0x10;
	v55 =	vshll.u32 v5, $0x10  }
0x175: {  	v57 =	vsub.f32 v55, v56;
	v1 =	vadd.f32 v4, v1;
	v2 =	vmul.f32 v2, v2  }
0x176: {  	v58 =	vand.u32 $0xFFFF0000, v49;
	v5 =	vand.u32 $0xFFFF0000, v5  }
0x177: {  	v4 =	vmul.f32 v57, v57;
	v1 =	vadd.f32 v1, v2;
	v2 =	vsub.f32 v5, v58  }
0x178: {  	v59 =	vshll.u32 v3, $0x10;
	v60 =	vshll.u32 v53, $0x10  }
0x179: {  	v61 =	vsub.f32 v59, v60;
	v1 =	vadd.f32 v4, v1;
	v2 =	vmul.f32 v2, v2  }
0x17a: {  	v3 =	vand.u32 $0xFFFF0000, v3;
	v62 =	vand.u32 $0xFFFF0000, v53  }
0x17b: {  	v1 =	vadd.f32 v1, v2;
	v2 =	vsub.f32 v3, v62;
	v3 =	vmul.f32 v61, v61;
	_ =	sdelay $0x1  }
0x17c: {  	v1 =	vadd.f32 v3, v1;
	v2 =	vmul.f32 v2, v2;
	_ =	sdelay $0x1  }
0x17d: {  	v1 =	vadd.f32 v1, v2;
	_ =	sdelay $0x1  }
0x17e: {  	v1 =	vadd.f32 $9.999999960e-13, v1;
	_ =	sdelay $0x1  }
0x17f: {  	v2 =	vshra.s32 v1, $0x1;
	v3 =	vmul.f32 $5.000000000e-01, v1  }
0x180: {  	v2 =	vsub.s32 $0x5F3759DF, v2  }
0x181: {  	v63 =	vmul.f32 v2, v3;
	_ =	sdelay $0x1  }
0x182: {  	v4 =	vmul.f32 v2, v63;
	_ =	sdelay $0x1  }
0x183: {  	v4 =	vsub.f32 $1.500000000e+00, v4;
	_ =	sdelay $0x1  }
0x184: {  	v2 =	vmul.f32 v2, v4;
	_ =	sdelay $0x1  }
0x185: {  	v3 =	vmul.f32 v2, v3;
	_ =	sdelay $0x1  }
0x186: {  	v3 =	vmul.f32 v3, v2;
	_ =	sdelay $0x1  }
0x187: {  	v3 =	vsub.f32 $1.500000000e+00, v3;
	_ =	sdelay $0x1  }
0x188: {  	v2 =	vmul.f32 v3, v2;
	_ =	sdelay $0x1  }
0x189: {  	v1 =	vmul.f32 v2, v1  }
0x18a: {  	s14 =	sshll.u32 s0, $0xD  }
0x18b: {  	s18 =	sadd.s32 s14, s13;
	s7 =	simm.s32 @!p2 $0x1;
	[tilespmem:s10+$0x0] =	vst v1  }
0x18c: {  	[hbm4b:s18+s5] =	stream.linear.scatter [tilespmem:s23], [sflag:$0x5], $0x400, $0x38;
	[tilespmem:$0x9800] =	vst v63  }
0x18d: {  	_ =	swait.ge @!p2 [sflag:s7], $0x400  }
0x18e: {  	[sflag:s7] =	ssyncset.done @!p2 $0x0  }
0x18f: {  	[sflag:s7] =	ssyncadd.s32 @!p2 $0xFFFFFC00  }
0x190: {  	_ =	swait.ge @!p2 [sflag:s7], $0x400  }
.Ltmp5:
0x191: {  	s9 =	simm.s32 @!p2 $0x1000;
	[sflag:s7] =	ssyncset.done @!p2 $0x0;
	(pc) =	sbr.rel @p0 .LBB2_8-.Ltmp5, $4  }
0x192: {  	s8 =	simm.s32 @!p2 $0x0;
	[sflag:s7] =	ssyncadd.s32 @!p2 $0xFFFFFC00;
	s7 =	simm.s32 @!p2 $0x400  }
0x193: {  	[tilespmem:s9], [sflag:$0x3] =	stream.indirect.gather @!p2 [hbm4b:s6+s7], $0x8, s8, s7, $0xb8;
	[tilespmem:$0x9800] =	vst v63  }
0x194: {  	s8 =	simm.s32 @!p2 $0x3000  }
0x195: {  	[tilespmem:s8], [sflag:$0x3] =	stream.indirect.gather @!p2 [hbm4b:s6+s7], $0x8, s7, s7, $0xb8;
	[tilespmem:$0x9800] =	vst v63  }
0x196: {  	_ =	swait.ge [sflag:s24], $0x2000  }
0x197: {  	[sflag:s24] =	ssyncset.done $0x0  }
0x198: {  	s7 =	sadd.s32 s12, s17;
	[sflag:s24] =	ssyncadd.s32 $0xFFFFE000  }
0x199: {  	s14 =	simm.s32 $0x0;
	p0 =	sgt.u32 s7, $0xC34;
	_ =	swait.ge [sflag:s24], $0x2000  }
0x19a: {  	s7 =	sshll.u32 @!p0 s7, $0x7;
	s9 =	simm.s32 @!p0 $0x0;
	[sflag:s24] =	ssyncset.done $0x0  }
0x19b: {  	s10 =	simm.s32 @!p0 $0x800;
	s8 =	sadd.s32 @!p0 s1, s7;
	[sflag:s24] =	ssyncadd.s32 $0xFFFFE000  }
0x19c: {  	v1 =	vmov s14;
	[tilespmem:s10], [sflag:$0x2] =	stream.linear.gather @!p0 [hbm4b:s8+s9], $0x400, $0x38;
	[tilespmem:$0x9800] =	vst v63  }
0x19d: {  	v1 =	vshll.u32 v1, $0x3;
	s7 =	sadd.s32 @!p0 s3, s7;
	s8 =	simm.s32 @!p0 $0xC00  }
0x19e: {  	v1 =	vor.u32 v0, v1;
	[tilespmem:s8], [sflag:$0x2] =	stream.linear.gather @!p0 [hbm4b:s7+s9], $0x400, $0x38;
	[tilespmem:$0x9800] =	vst v63  }
0x19f: {  	s7 =	simm.s32 @!p1 $0x6  }
0x1a0: {  	v2 =	vor.u32 $0x1, v1;
	_ =	swait.ge @!p1 [sflag:s7], $0x400  }
0x1a1: {  	[sflag:s7] =	ssyncset.done @!p1 $0x0  }
0x1a2: {  	[sflag:s7] =	ssyncadd.s32 @!p1 $0xFFFFFC00  }
0x1a3: {  	v4 =	vld.idx.msk [tilespmem:v1+s25+$0x0], $0xffff  }
0x1a4: {  	v5 =	vor.u32 $0x2, v1;
	v3 =	vld.idx.msk [tilespmem:v1+s26+$0x0], $0xffff  }
0x1a5: {  	v6 =	vld.idx.msk [tilespmem:v2+s25+$0x0], $0xffff  }
0x1a6: {  	v2 =	vld.idx.msk [tilespmem:v2+s26+$0x0], $0xffff;
	_ =	sdelay $0x1  }
0x1a7: {  	v7 =	vor.u32 $0x3, v1;
	v8 =	vshll.u32 v4, $0x10  }
0x1a8: {  	v10 =	vld.idx.msk [tilespmem:v5+s25+$0x0], $0xffff;
	v9 =	vshll.u32 v3, $0x10;
	v3 =	vand.u32 $0xFFFF0000, v3;
	v4 =	vand.u32 $0xFFFF0000, v4  }
0x1a9: {  	v5 =	vld.idx.msk [tilespmem:v5+s26+$0x0], $0xffff;
	v8 =	vsub.f32 v8, v9;
	v3 =	vsub.f32 v4, v3  }
0x1aa: {  	v11 =	vor.u32 $0x4, v1;
	v36 =	vshll.u32 v2, $0x10;
	v4 =	vshll.u32 v6, $0x10  }
0x1ab: {  	v4 =	vsub.f32 v4, v36;
	v8 =	vmul.f32 v8, v8;
	v3 =	vmul.f32 v3, v3  }
0x1ac: {  	v37 =	vld.idx.msk [tilespmem:v7+s25+$0x0], $0xffff;
	v2 =	vand.u32 $0xFFFF0000, v2;
	v6 =	vand.u32 $0xFFFF0000, v6  }
0x1ad: {  	v7 =	vld.idx.msk [tilespmem:v7+s26+$0x0], $0xffff;
	v2 =	vsub.f32 v6, v2;
	v4 =	vmul.f32 v4, v4;
	v3 =	vadd.f32 v3, v8  }
0x1ae: {  	v12 =	vor.u32 $0x5, v1;
	v38 =	vshll.u32 v10, $0x10;
	v6 =	vshll.u32 v5, $0x10  }
0x1af: {  	v2 =	vmul.f32 v2, v2;
	v3 =	vadd.f32 v4, v3;
	v4 =	vsub.f32 v38, v6  }
0x1b0: {  	v39 =	vld.idx.msk [tilespmem:v11+s25+$0x0], $0xffff;
	v5 =	vand.u32 $0xFFFF0000, v5;
	v6 =	vand.u32 $0xFFFF0000, v10  }
0x1b1: {  	v5 =	vsub.f32 v6, v5;
	v6 =	vld.idx.msk [tilespmem:v11+s26+$0x0], $0xffff;
	v2 =	vadd.f32 v3, v2;
	v3 =	vmul.f32 v4, v4  }
0x1b2: {  	v40 =	vor.u32 $0x6, v1;
	v41 =	vshll.u32 v7, $0x10;
	v4 =	vshll.u32 v37, $0x10  }
0x1b3: {  	v4 =	vsub.f32 v4, v41;
	v2 =	vadd.f32 v3, v2;
	v3 =	vmul.f32 v5, v5  }
0x1b4: {  	v42 =	vld.idx.msk [tilespmem:v12+s26+$0x0], $0xffff;
	v7 =	vand.u32 $0xFFFF0000, v7;
	v5 =	vand.u32 $0xFFFF0000, v37  }
0x1b5: {  	v5 =	vsub.f32 v5, v7;
	v7 =	vld.idx.msk [tilespmem:v12+s25+$0x0], $0xffff;
	v2 =	vadd.f32 v2, v3;
	v3 =	vmul.f32 v4, v4  }
0x1b6: {  	v1 =	vor.u32 $0x7, v1;
	v4 =	vshll.u32 v39, $0x10;
	v43 =	vshll.u32 v6, $0x10  }
0x1b7: {  	v5 =	vmul.f32 v5, v5;
	v2 =	vadd.f32 v3, v2;
	v3 =	vsub.f32 v4, v43  }
0x1b8: {  	v44 =	vld.idx.msk [tilespmem:v40+s26+$0x0], $0xffff;
	v4 =	vand.u32 $0xFFFF0000, v6;
	v6 =	vand.u32 $0xFFFF0000, v39  }
0x1b9: {  	v4 =	vsub.f32 v6, v4;
	v6 =	vld.idx.msk [tilespmem:v40+s25+$0x0], $0xffff;
	v2 =	vadd.f32 v2, v5;
	v3 =	vmul.f32 v3, v3  }
0x1ba: {  	v45 =	vshll.u32 v42, $0x10;
	v5 =	vshll.u32 v7, $0x10  }
0x1bb: {  	v2 =	vadd.f32 v3, v2;
	v3 =	vmul.f32 v4, v4;
	v4 =	vsub.f32 v5, v45  }
0x1bc: {  	v46 =	vld.idx.msk [tilespmem:v1+s26+$0x0], $0xffff;
	v7 =	vand.u32 $0xFFFF0000, v7;
	v5 =	vand.u32 $0xFFFF0000, v42  }
0x1bd: {  	v1 =	vld.idx.msk [tilespmem:v1+s25+$0x0], $0xffff;
	v5 =	vsub.f32 v7, v5;
	v2 =	vadd.f32 v2, v3;
	v3 =	vmul.f32 v4, v4  }
0x1be: {  	v7 =	vshll.u32 v44, $0x10;
	v4 =	vshll.u32 v6, $0x10  }
0x1bf: {  	v4 =	vsub.f32 v4, v7;
	v2 =	vadd.f32 v3, v2;
	v3 =	vmul.f32 v5, v5  }
0x1c0: {  	v6 =	vand.u32 $0xFFFF0000, v6;
	v5 =	vand.u32 $0xFFFF0000, v44  }
0x1c1: {  	v5 =	vsub.f32 v6, v5;
	v2 =	vadd.f32 v2, v3;
	v3 =	vmul.f32 v4, v4  }
0x1c2: {  	v6 =	vshll.u32 v46, $0x10;
	v4 =	vshll.u32 v1, $0x10  }
0x1c3: {  	v5 =	vmul.f32 v5, v5;
	v2 =	vadd.f32 v3, v2;
	v3 =	vsub.f32 v4, v6  }
0x1c4: {  	v1 =	vand.u32 $0xFFFF0000, v1;
	v4 =	vand.u32 $0xFFFF0000, v46  }
0x1c5: {  	v1 =	vsub.f32 v1, v4;
	v2 =	vadd.f32 v2, v5;
	v3 =	vmul.f32 v3, v3;
	_ =	sdelay $0x1  }
0x1c6: {  	v1 =	vmul.f32 v1, v1;
	v2 =	vadd.f32 v3, v2;
	_ =	sdelay $0x1  }
0x1c7: {  	v1 =	vadd.f32 v2, v1;
	_ =	sdelay $0x1  }
0x1c8: {  	v1 =	vadd.f32 $9.999999960e-13, v1;
	_ =	sdelay $0x1  }
0x1c9: {  	v2 =	vshra.s32 v1, $0x1;
	v3 =	vmul.f32 $5.000000000e-01, v1  }
0x1ca: {  	v2 =	vsub.s32 $0x5F3759DF, v2  }
0x1cb: {  	v4 =	vmul.f32 v2, v3;
	_ =	sdelay $0x1  }
0x1cc: {  	v4 =	vmul.f32 v2, v4;
	_ =	sdelay $0x1  }
0x1cd: {  	v4 =	vsub.f32 $1.500000000e+00, v4;
	_ =	sdelay $0x1  }
0x1ce: {  	v2 =	vmul.f32 v2, v4;
	_ =	sdelay $0x1  }
0x1cf: {  	v3 =	vmul.f32 v2, v3;
	_ =	sdelay $0x1  }
0x1d0: {  	v3 =	vmul.f32 v3, v2  }
0x1d1: {  	s18 =	simm.s32 $0x10  }
0x1d2: {  	v4 =	vmov s18;
	v3 =	vsub.f32 $1.500000000e+00, v3  }
0x1d3: {  	v4 =	vshll.u32 v4, $0x3  }
0x1d4: {  	v2 =	vmul.f32 v3, v2;
	v3 =	vor.u32 v0, v4;
	_ =	sdelay $0x1  }
0x1d5: {  	v1 =	vmul.f32 v2, v1;
	v2 =	vor.u32 $0x1, v3  }
0x1d6: {  	s17 =	simm.s32 $0x9410  }
0x1d7: {  	[tilespmem:s17+$0xFFFFFFF0] =	vst v1  }
0x1d8: {  	v1 =	vld.idx.msk [tilespmem:v3+s25+$0x0], $0xffff  }
0x1d9: {  	v5 =	vor.u32 $0x2, v3;
	v4 =	vld.idx.msk [tilespmem:v3+s26+$0x0], $0xffff  }
0x1da: {  	v6 =	vld.idx.msk [tilespmem:v2+s26+$0x0], $0xffff  }
0x1db: {  	v2 =	vld.idx.msk [tilespmem:v2+s25+$0x0], $0xffff;
	_ =	sdelay $0x1  }
0x1dc: {  	v7 =	vor.u32 $0x3, v3;
	v47 =	vshll.u32 v1, $0x10  }
0x1dd: {  	v48 =	vld.idx.msk [tilespmem:v5+s26+$0x0], $0xffff;
	v49 =	vshll.u32 v4, $0x10;
	v1 =	vand.u32 $0xFFFF0000, v1;
	v4 =	vand.u32 $0xFFFF0000, v4  }
0x1de: {  	v5 =	vld.idx.msk [tilespmem:v5+s25+$0x0], $0xffff;
	v8 =	vsub.f32 v47, v49;
	v1 =	vsub.f32 v1, v4  }
0x1df: {  	v51 =	vor.u32 $0x4, v3;
	v4 =	vshll.u32 v6, $0x10;
	v50 =	vshll.u32 v2, $0x10  }
0x1e0: {  	v8 =	vmul.f32 v8, v8;
	v1 =	vmul.f32 v1, v1;
	v4 =	vsub.f32 v50, v4  }
0x1e1: {  	v52 =	vld.idx.msk [tilespmem:v7+s26+$0x0], $0xffff;
	v2 =	vand.u32 $0xFFFF0000, v2;
	v6 =	vand.u32 $0xFFFF0000, v6  }
0x1e2: {  	v7 =	vld.idx.msk [tilespmem:v7+s25+$0x0], $0xffff;
	v2 =	vsub.f32 v2, v6;
	v1 =	vadd.f32 v1, v8;
	v4 =	vmul.f32 v4, v4  }
0x1e3: {  	v53 =	vshll.u32 v5, $0x10;
	v54 =	vshll.u32 v48, $0x10;
	v6 =	vor.u32 $0x5, v3  }
0x1e4: {  	v2 =	vmul.f32 v2, v2;
	v1 =	vadd.f32 v4, v1;
	v4 =	vsub.f32 v53, v54  }
0x1e5: {  	v55 =	vld.idx.msk [tilespmem:v51+s26+$0x0], $0xffff;
	v5 =	vand.u32 $0xFFFF0000, v5;
	v9 =	vand.u32 $0xFFFF0000, v48  }
0x1e6: {  	v11 =	vld.idx.msk [tilespmem:v51+s25+$0x0], $0xffff;
	v1 =	vadd.f32 v1, v2;
	v2 =	vsub.f32 v5, v9;
	v4 =	vmul.f32 v4, v4  }
0x1e7: {  	v56 =	vshll.u32 v7, $0x10;
	v57 =	vshll.u32 v52, $0x10;
	v5 =	vor.u32 $0x6, v3  }
0x1e8: {  	v1 =	vadd.f32 v4, v1;
	v2 =	vmul.f32 v2, v2;
	v4 =	vsub.f32 v56, v57  }
0x1e9: {  	v7 =	vand.u32 $0xFFFF0000, v7;
	v10 =	vand.u32 $0xFFFF0000, v52;
	v58 =	vld.idx.msk [tilespmem:v6+s26+$0x0], $0xffff  }
0x1ea: {  	v6 =	vld.idx.msk [tilespmem:v6+s25+$0x0], $0xffff;
	v1 =	vadd.f32 v1, v2;
	v2 =	vsub.f32 v7, v10;
	v4 =	vmul.f32 v4, v4  }
0x1eb: {  	v59 =	vshll.u32 v55, $0x10;
	v3 =	vor.u32 $0x7, v3;
	v7 =	vshll.u32 v11, $0x10  }
0x1ec: {  	v1 =	vadd.f32 v4, v1;
	v2 =	vmul.f32 v2, v2;
	v4 =	vsub.f32 v7, v59  }
0x1ed: {  	v8 =	vand.u32 $0xFFFF0000, v55;
	v60 =	vld.idx.msk [tilespmem:v5+s26+$0x0], $0xffff;
	v7 =	vand.u32 $0xFFFF0000, v11  }
0x1ee: {  	v5 =	vld.idx.msk [tilespmem:v5+s25+$0x0], $0xffff;
	v1 =	vadd.f32 v1, v2;
	v2 =	vsub.f32 v7, v8;
	v4 =	vmul.f32 v4, v4  }
0x1ef: {  	v61 =	vshll.u32 v58, $0x10;
	v7 =	vshll.u32 v6, $0x10  }
0x1f0: {  	v1 =	vadd.f32 v4, v1;
	v2 =	vmul.f32 v2, v2;
	v4 =	vsub.f32 v7, v61  }
0x1f1: {  	v62 =	vand.u32 $0xFFFF0000, v58;
	v6 =	vand.u32 $0xFFFF0000, v6;
	v7 =	vld.idx.msk [tilespmem:v3+s26+$0x0], $0xffff  }
0x1f2: {  	v3 =	vld.idx.msk [tilespmem:v3+s25+$0x0], $0xffff;
	v1 =	vadd.f32 v1, v2;
	v2 =	vsub.f32 v6, v62;
	v4 =	vmul.f32 v4, v4  }
0x1f3: {  	v63 =	vshll.u32 v60, $0x10;
	v6 =	vshll.u32 v5, $0x10  }
0x1f4: {  	v1 =	vadd.f32 v4, v1;
	v2 =	vmul.f32 v2, v2;
	v4 =	vsub.f32 v6, v63  }
0x1f5: {  	v5 =	vand.u32 $0xFFFF0000, v5;
	v6 =	vand.u32 $0xFFFF0000, v60  }
0x1f6: {  	v1 =	vadd.f32 v1, v2;
	v2 =	vsub.f32 v5, v6;
	v4 =	vmul.f32 v4, v4  }
0x1f7: {  	v5 =	vshll.u32 v3, $0x10;
	v6 =	vshll.u32 v7, $0x10  }
0x1f8: {  	v1 =	vadd.f32 v4, v1;
	v2 =	vmul.f32 v2, v2;
	v4 =	vsub.f32 v5, v6  }
0x1f9: {  	v3 =	vand.u32 $0xFFFF0000, v3;
	v5 =	vand.u32 $0xFFFF0000, v7  }
0x1fa: {  	v1 =	vadd.f32 v1, v2;
	v2 =	vsub.f32 v3, v5;
	v3 =	vmul.f32 v4, v4;
	_ =	sdelay $0x1  }
0x1fb: {  	v1 =	vadd.f32 v3, v1;
	v2 =	vmul.f32 v2, v2;
	_ =	sdelay $0x1  }
0x1fc: {  	v1 =	vadd.f32 v1, v2;
	_ =	sdelay $0x1  }
0x1fd: {  	v2 =	vadd.f32 $9.999999960e-13, v1;
	_ =	sdelay $0x1  }
0x1fe: {  	v1 =	vshra.s32 v2, $0x1;
	v4 =	vmul.f32 $5.000000000e-01, v2  }
0x1ff: {  	v1 =	vsub.s32 $0x5F3759DF, v1  }
0x200: {  	v3 =	vmul.f32 v1, v4;
	_ =	sdelay $0x1  }
0x201: {  	v3 =	vmul.f32 v1, v3;
	_ =	sdelay $0x1  }
0x202: {  	v3 =	vsub.f32 $1.500000000e+00, v3;
	_ =	sdelay $0x1  }
0x203: {  	v3 =	vmul.f32 v1, v3;
	_ =	sdelay $0x1  }
0x204: {  	v1 =	vmul.f32 v3, v4  }
0x205: {  	s7 =	simm.s32 $0x20  }
0x206: {  	v4 =	vmov s7;
	v5 =	vmul.f32 v1, v3  }
0x207: {  	v1 =	vshll.u32 v4, $0x3  }
0x208: {  	s9 =	simm.s32 $0x40;
	s8 =	simm.s32 $0x9410;
	v1 =	vor.u32 v0, v1;
	v4 =	vsub.f32 $1.500000000e+00, v5  }
.LBB2_6:
0x209: {  	p0 =	sne.s32 s9, $0x3E0  }
0x20a: {  	s17 =	sadd.s32 $0x20, s17;
	s10 =	smov.u32 s9;
	s9 =	sadd.s32 $0x20, s9  }
0x20b: {  	v5 =	vor.u32 $0x1, v1;
	v3 =	vmul.f32 v4, v3;
	_ =	sdelay $0x1  }
0x20c: {  	v2 =	vmul.f32 v3, v2;
	_ =	sdelay $0x1  }
0x20d: {  	[tilespmem:s8+$0x0] =	vst v2;
	s8 =	smov.u32 s17  }
0x20e: {  	v3 =	vor.u32 $0x2, v1;
	v2 =	vld.idx.msk [tilespmem:v1+s26+$0x0], $0xffff  }
0x20f: {  	v4 =	vld.idx.msk [tilespmem:v1+s25+$0x0], $0xffff  }
0x210: {  	v6 =	vld.idx.msk [tilespmem:v5+s25+$0x0], $0xffff;
	_ =	sdelay $0x1  }
0x211: {  	v5 =	vld.idx.msk [tilespmem:v5+s26+$0x0], $0xffff  }
0x212: {  	v8 =	vor.u32 $0x3, v1;
	v7 =	vld.idx.msk [tilespmem:v3+s25+$0x0], $0xffff  }
0x213: {  	v9 =	vand.u32 $0xFFFF0000, v2;
	v3 =	vld.idx.msk [tilespmem:v3+s26+$0x0], $0xffff  }
0x214: {  	v2 =	vshll.u32 v2, $0x10;
	v10 =	vshll.u32 v4, $0x10;
	v4 =	vand.u32 $0xFFFF0000, v4  }
0x215: {  	v2 =	vsub.f32 v10, v2;
	v4 =	vsub.f32 v4, v9  }
0x216: {  	v9 =	vshll.u32 v6, $0x10  }
0x217: {  	v12 =	vor.u32 $0x4, v1;
	v2 =	vmul.f32 v2, v2;
	v10 =	vshll.u32 v5, $0x10;
	v11 =	vld.idx.msk [tilespmem:v8+s25+$0x0], $0xffff  }
0x218: {  	v4 =	vmul.f32 v4, v4;
	v5 =	vand.u32 $0xFFFF0000, v5;
	v9 =	vsub.f32 v9, v10;
	v8 =	vld.idx.msk [tilespmem:v8+s26+$0x0], $0xffff  }
0x219: {  	v6 =	vand.u32 $0xFFFF0000, v6;
	v10 =	vshll.u32 v3, $0x10;
	v3 =	vand.u32 $0xFFFF0000, v3  }
0x21a: {  	v2 =	vadd.f32 v4, v2;
	v4 =	vsub.f32 v6, v5;
	v5 =	vmul.f32 v9, v9  }
0x21b: {  	v6 =	vshll.u32 v7, $0x10;
	v7 =	vand.u32 $0xFFFF0000, v7;
	v9 =	vor.u32 $0x5, v1  }
0x21c: {  	v4 =	vmul.f32 v4, v4;
	v2 =	vadd.f32 v5, v2;
	v5 =	vsub.f32 v6, v10;
	v6 =	vld.idx.msk [tilespmem:v12+s25+$0x0], $0xffff  }
0x21d: {  	v3 =	vsub.f32 v7, v3;
	v7 =	vshll.u32 v11, $0x10;
	v10 =	vld.idx.msk [tilespmem:v12+s26+$0x0], $0xffff;
	v12 =	vor.u32 $0x6, v1  }
0x21e: {  	v2 =	vadd.f32 v2, v4;
	v4 =	vmul.f32 v5, v5;
	v5 =	vshll.u32 v8, $0x10  }
0x21f: {  	v11 =	vand.u32 $0xFFFF0000, v11;
	v8 =	vand.u32 $0xFFFF0000, v8;
	v5 =	vsub.f32 v7, v5  }
0x220: {  	v3 =	vmul.f32 v3, v3;
	v2 =	vadd.f32 v4, v2;
	v4 =	vsub.f32 v11, v8;
	v7 =	vld.idx.msk [tilespmem:v9+s26+$0x0], $0xffff  }
0x221: {  	v1 =	vor.u32 $0x7, v1;
	v8 =	vld.idx.msk [tilespmem:v9+s25+$0x0], $0xffff  }
0x222: {  	v2 =	vadd.f32 v2, v3;
	v3 =	vmul.f32 v5, v5;
	v4 =	vmul.f32 v4, v4  }
0x223: {  	v5 =	vshll.u32 v6, $0x10;
	v9 =	vshll.u32 v10, $0x10;
	v10 =	vand.u32 $0xFFFF0000, v10  }
0x224: {  	v2 =	vadd.f32 v3, v2;
	v3 =	vand.u32 $0xFFFF0000, v6;
	v5 =	vsub.f32 v5, v9;
	v6 =	vld.idx.msk [tilespmem:v12+s26+$0x0], $0xffff  }
0x225: {  	v3 =	vsub.f32 v3, v10;
	v9 =	vld.idx.msk [tilespmem:v12+s25+$0x0], $0xffff  }
0x226: {  	v2 =	vadd.f32 v2, v4;
	v4 =	vmul.f32 v5, v5;
	v5 =	vand.u32 $0xFFFF0000, v7  }
0x227: {  	v7 =	vshll.u32 v7, $0x10;
	v10 =	vshll.u32 v8, $0x10;
	v8 =	vand.u32 $0xFFFF0000, v8  }
0x228: {  	v3 =	vmul.f32 v3, v3;
	v2 =	vadd.f32 v4, v2;
	v4 =	vsub.f32 v10, v7;
	v7 =	vld.idx.msk [tilespmem:v1+s26+$0x0], $0xffff  }
0x229: {  	v5 =	vsub.f32 v8, v5;
	v1 =	vld.idx.msk [tilespmem:v1+s25+$0x0], $0xffff  }
0x22a: {  	v2 =	vadd.f32 v2, v3;
	v3 =	vmul.f32 v4, v4;
	v4 =	vand.u32 $0xFFFF0000, v6  }
0x22b: {  	v6 =	vshll.u32 v6, $0x10;
	v8 =	vshll.u32 v9, $0x10;
	v9 =	vand.u32 $0xFFFF0000, v9  }
0x22c: {  	v2 =	vadd.f32 v3, v2;
	v3 =	vmul.f32 v5, v5;
	v5 =	vsub.f32 v8, v6  }
0x22d: {  	v4 =	vsub.f32 v9, v4  }
0x22e: {  	v2 =	vadd.f32 v2, v3;
	v3 =	vmul.f32 v5, v5;
	v5 =	vand.u32 $0xFFFF0000, v7  }
0x22f: {  	v4 =	vmul.f32 v4, v4;
	v7 =	vshll.u32 v7, $0x10;
	v6 =	vshll.u32 v1, $0x10  }
0x230: {  	v1 =	vand.u32 $0xFFFF0000, v1;
	v2 =	vadd.f32 v3, v2;
	v3 =	vsub.f32 v6, v7  }
0x231: {  	v1 =	vsub.f32 v1, v5  }
0x232: {  	v2 =	vadd.f32 v2, v4;
	v3 =	vmul.f32 v3, v3  }
0x233: {  	v1 =	vmul.f32 v1, v1  }
0x234: {  	v2 =	vadd.f32 v3, v2;
	_ =	sdelay $0x1  }
0x235: {  	v1 =	vadd.f32 v2, v1;
	_ =	sdelay $0x1  }
0x236: {  	v1 =	vadd.f32 $9.999999960e-13, v1;
	_ =	sdelay $0x1  }
0x237: {  	v2 =	vshra.s32 v1, $0x1;
	v3 =	vmul.f32 $5.000000000e-01, v1  }
0x238: {  	v2 =	vsub.s32 $0x5F3759DF, v2  }
0x239: {  	v4 =	vmul.f32 v2, v3;
	_ =	sdelay $0x1  }
0x23a: {  	v4 =	vmul.f32 v2, v4;
	_ =	sdelay $0x1  }
0x23b: {  	v4 =	vsub.f32 $1.500000000e+00, v4;
	_ =	sdelay $0x1  }
0x23c: {  	v2 =	vmul.f32 v2, v4;
	_ =	sdelay $0x1  }
0x23d: {  	v3 =	vmul.f32 v2, v3;
	_ =	sdelay $0x1  }
0x23e: {  	v3 =	vmul.f32 v3, v2  }
0x23f: {  	s14 =	sadd.s32 $0x10, s7;
	s7 =	smov.u32 s10  }
0x240: {  	v4 =	vmov s14;
	v3 =	vsub.f32 $1.500000000e+00, v3  }
0x241: {  	v4 =	vshll.u32 v4, $0x3  }
0x242: {  	v2 =	vmul.f32 v3, v2;
	v3 =	vor.u32 v0, v4;
	_ =	sdelay $0x1  }
0x243: {  	v1 =	vmul.f32 v2, v1;
	v2 =	vor.u32 $0x1, v3;
	_ =	sdelay $0x1  }
0x244: {  	[tilespmem:s17+$0xFFFFFFF0] =	vst v1  }
0x245: {  	v1 =	vld.idx.msk [tilespmem:v3+s25+$0x0], $0xffff  }
0x246: {  	v5 =	vor.u32 $0x2, v3;
	v4 =	vld.idx.msk [tilespmem:v3+s26+$0x0], $0xffff  }
0x247: {  	v6 =	vld.idx.msk [tilespmem:v2+s26+$0x0], $0xffff  }
0x248: {  	v2 =	vld.idx.msk [tilespmem:v2+s25+$0x0], $0xffff;
	_ =	sdelay $0x1  }
0x249: {  	v7 =	vor.u32 $0x3, v3  }
0x24a: {  	v8 =	vshll.u32 v1, $0x10;
	v9 =	vld.idx.msk [tilespmem:v5+s26+$0x0], $0xffff  }
0x24b: {  	v1 =	vand.u32 $0xFFFF0000, v1;
	v10 =	vshll.u32 v4, $0x10;
	v4 =	vand.u32 $0xFFFF0000, v4;
	v5 =	vld.idx.msk [tilespmem:v5+s25+$0x0], $0xffff  }
0x24c: {  	v8 =	vsub.f32 v8, v10;
	v1 =	vsub.f32 v1, v4;
	v4 =	vshll.u32 v6, $0x10  }
0x24d: {  	v11 =	vor.u32 $0x4, v3;
	v10 =	vshll.u32 v2, $0x10;
	v2 =	vand.u32 $0xFFFF0000, v2  }
0x24e: {  	v8 =	vmul.f32 v8, v8;
	v1 =	vmul.f32 v1, v1;
	v4 =	vsub.f32 v10, v4;
	v10 =	vld.idx.msk [tilespmem:v7+s26+$0x0], $0xffff  }
0x24f: {  	v12 =	vor.u32 $0x5, v3;
	v6 =	vand.u32 $0xFFFF0000, v6;
	v7 =	vld.idx.msk [tilespmem:v7+s25+$0x0], $0xffff  }
0x250: {  	v2 =	vsub.f32 v2, v6;
	v1 =	vadd.f32 v1, v8;
	v4 =	vmul.f32 v4, v4  }
0x251: {  	v8 =	vshll.u32 v9, $0x10;
	v6 =	vshll.u32 v5, $0x10;
	v5 =	vand.u32 $0xFFFF0000, v5  }
0x252: {  	v2 =	vmul.f32 v2, v2;
	v1 =	vadd.f32 v4, v1;
	v4 =	vsub.f32 v6, v8;
	v6 =	vld.idx.msk [tilespmem:v11+s26+$0x0], $0xffff  }
0x253: {  	v8 =	vand.u32 $0xFFFF0000, v9;
	v9 =	vld.idx.msk [tilespmem:v11+s25+$0x0], $0xffff;
	v11 =	vor.u32 $0x6, v3  }
0x254: {  	v1 =	vadd.f32 v1, v2;
	v2 =	vsub.f32 v5, v8;
	v4 =	vmul.f32 v4, v4  }
0x255: {  	v8 =	vshll.u32 v10, $0x10;
	v5 =	vshll.u32 v7, $0x10;
	v7 =	vand.u32 $0xFFFF0000, v7  }
0x256: {  	v1 =	vadd.f32 v4, v1;
	v2 =	vmul.f32 v2, v2;
	v4 =	vsub.f32 v5, v8;
	v5 =	vld.idx.msk [tilespmem:v12+s26+$0x0], $0xffff  }
0x257: {  	v3 =	vor.u32 $0x7, v3;
	v8 =	vand.u32 $0xFFFF0000, v10;
	v10 =	vld.idx.msk [tilespmem:v12+s25+$0x0], $0xffff  }
0x258: {  	v1 =	vadd.f32 v1, v2;
	v2 =	vsub.f32 v7, v8;
	v4 =	vmul.f32 v4, v4  }
0x259: {  	v8 =	vshll.u32 v6, $0x10;
	v7 =	vshll.u32 v9, $0x10;
	v9 =	vand.u32 $0xFFFF0000, v9  }
0x25a: {  	v1 =	vadd.f32 v4, v1;
	v2 =	vmul.f32 v2, v2;
	v4 =	vsub.f32 v7, v8;
	v7 =	vld.idx.msk [tilespmem:v11+s26+$0x0], $0xffff  }
0x25b: {  	v6 =	vand.u32 $0xFFFF0000, v6;
	v8 =	vld.idx.msk [tilespmem:v11+s25+$0x0], $0xffff  }
0x25c: {  	v1 =	vadd.f32 v1, v2;
	v2 =	vsub.f32 v9, v6;
	v4 =	vmul.f32 v4, v4  }
0x25d: {  	v9 =	vshll.u32 v5, $0x10;
	v6 =	vshll.u32 v10, $0x10;
	v10 =	vand.u32 $0xFFFF0000, v10  }
0x25e: {  	v1 =	vadd.f32 v4, v1;
	v2 =	vmul.f32 v2, v2;
	v4 =	vsub.f32 v6, v9;
	v6 =	vld.idx.msk [tilespmem:v3+s26+$0x0], $0xffff  }
0x25f: {  	v5 =	vand.u32 $0xFFFF0000, v5;
	v3 =	vld.idx.msk [tilespmem:v3+s25+$0x0], $0xffff  }
0x260: {  	v1 =	vadd.f32 v1, v2;
	v2 =	vsub.f32 v10, v5;
	v4 =	vmul.f32 v4, v4  }
0x261: {  	v9 =	vshll.u32 v7, $0x10;
	v5 =	vshll.u32 v8, $0x10;
	v8 =	vand.u32 $0xFFFF0000, v8  }
0x262: {  	v1 =	vadd.f32 v4, v1;
	v2 =	vmul.f32 v2, v2;
	v4 =	vsub.f32 v5, v9  }
0x263: {  	v5 =	vand.u32 $0xFFFF0000, v7  }
0x264: {  	v1 =	vadd.f32 v1, v2;
	v2 =	vsub.f32 v8, v5;
	v4 =	vmul.f32 v4, v4  }
0x265: {  	v7 =	vshll.u32 v6, $0x10;
	v5 =	vshll.u32 v3, $0x10;
	v3 =	vand.u32 $0xFFFF0000, v3  }
0x266: {  	v1 =	vadd.f32 v4, v1;
	v2 =	vmul.f32 v2, v2;
	v4 =	vsub.f32 v5, v7  }
0x267: {  	v5 =	vand.u32 $0xFFFF0000, v6  }
0x268: {  	v1 =	vadd.f32 v1, v2;
	v2 =	vsub.f32 v3, v5;
	v3 =	vmul.f32 v4, v4;
	_ =	sdelay $0x1  }
0x269: {  	v1 =	vadd.f32 v3, v1;
	v2 =	vmul.f32 v2, v2;
	_ =	sdelay $0x1  }
0x26a: {  	v1 =	vadd.f32 v1, v2;
	_ =	sdelay $0x1  }
0x26b: {  	v2 =	vadd.f32 $9.999999960e-13, v1;
	_ =	sdelay $0x1  }
0x26c: {  	v1 =	vshra.s32 v2, $0x1;
	v4 =	vmul.f32 $5.000000000e-01, v2  }
0x26d: {  	v1 =	vsub.s32 $0x5F3759DF, v1  }
0x26e: {  	v3 =	vmul.f32 v1, v4;
	_ =	sdelay $0x1  }
0x26f: {  	v3 =	vmul.f32 v1, v3;
	_ =	sdelay $0x1  }
0x270: {  	v3 =	vsub.f32 $1.500000000e+00, v3;
	_ =	sdelay $0x1  }
0x271: {  	v3 =	vmul.f32 v1, v3;
	_ =	sdelay $0x1  }
.Ltmp6:
0x272: {  	v1 =	vmul.f32 v3, v4;
	(pc) =	sbr.rel @p0 .LBB2_6-.Ltmp6, $4  }
0x273: {  	_ = 	snop  }
0x274: {  	v4 =	vmov s7;
	v5 =	vmul.f32 v1, v3  }
0x275: {  	v1 =	vshll.u32 v4, $0x3  }
0x276: {  	v1 =	vor.u32 v0, v1;
	v4 =	vsub.f32 $1.500000000e+00, v5  }
0x277: {  	_ = 	snop  }
0x278: {  	v3 =	vmul.f32 v4, v3;
	_ =	sdelay $0x1  }
0x279: {  	v2 =	vmul.f32 v3, v2;
	v3 =	vor.u32 $0x1, v1;
	_ =	sdelay $0x1  }
0x27a: {  	[tilespmem:s8+$0x0] =	vst v2  }
0x27b: {  	v42 =	vld.idx.msk [tilespmem:v1+s25+$0x0], $0xffff  }
0x27c: {  	v5 =	vor.u32 $0x2, v1;
	v2 =	vld.idx.msk [tilespmem:v1+s26+$0x0], $0xffff  }
0x27d: {  	v6 =	vld.idx.msk [tilespmem:v3+s25+$0x0], $0xffff  }
0x27e: {  	v3 =	vld.idx.msk [tilespmem:v3+s26+$0x0], $0xffff;
	_ =	sdelay $0x1  }
0x27f: {  	v7 =	vor.u32 $0x3, v1;
	v8 =	vshll.u32 v42, $0x10  }
0x280: {  	v10 =	vld.idx.msk [tilespmem:v5+s25+$0x0], $0xffff;
	v9 =	vshll.u32 v2, $0x10;
	v2 =	vand.u32 $0xFFFF0000, v2;
	v4 =	vand.u32 $0xFFFF0000, v42  }
0x281: {  	v5 =	vld.idx.msk [tilespmem:v5+s26+$0x0], $0xffff;
	v8 =	vsub.f32 v8, v9;
	v2 =	vsub.f32 v4, v2  }
0x282: {  	v11 =	vor.u32 $0x4, v1;
	v43 =	vshll.u32 v6, $0x10;
	v44 =	vshll.u32 v3, $0x10  }
0x283: {  	v8 =	vmul.f32 v8, v8;
	v2 =	vmul.f32 v2, v2;
	v4 =	vsub.f32 v43, v44  }
0x284: {  	v45 =	vld.idx.msk [tilespmem:v7+s25+$0x0], $0xffff;
	v3 =	vand.u32 $0xFFFF0000, v3;
	v6 =	vand.u32 $0xFFFF0000, v6  }
0x285: {  	v7 =	vld.idx.msk [tilespmem:v7+s26+$0x0], $0xffff;
	v3 =	vsub.f32 v6, v3;
	v2 =	vadd.f32 v2, v8;
	v4 =	vmul.f32 v4, v4  }
0x286: {  	v12 =	vor.u32 $0x5, v1;
	v46 =	vshll.u32 v5, $0x10;
	v47 =	vshll.u32 v10, $0x10  }
0x287: {  	v48 =	vsub.f32 v47, v46;
	v3 =	vmul.f32 v3, v3;
	v2 =	vadd.f32 v4, v2  }
0x288: {  	v50 =	vld.idx.msk [tilespmem:v11+s25+$0x0], $0xffff;
	v5 =	vand.u32 $0xFFFF0000, v5;
	v49 =	vand.u32 $0xFFFF0000, v10  }
0x289: {  	v51 =	vld.idx.msk [tilespmem:v11+s26+$0x0], $0xffff;
	v5 =	vsub.f32 v49, v5;
	v2 =	vadd.f32 v2, v3;
	v3 =	vmul.f32 v48, v48  }
0x28a: {  	v53 =	vor.u32 $0x6, v1;
	v52 =	vshll.u32 v45, $0x10;
	v54 =	vshll.u32 v7, $0x10  }
0x28b: {  	v4 =	vsub.f32 v52, v54;
	v2 =	vadd.f32 v3, v2;
	v3 =	vmul.f32 v5, v5  }
0x28c: {  	v56 =	vld.idx.msk [tilespmem:v12+s26+$0x0], $0xffff;
	v55 =	vand.u32 $0xFFFF0000, v45;
	v7 =	vand.u32 $0xFFFF0000, v7  }
0x28d: {  	v57 =	vld.idx.msk [tilespmem:v12+s25+$0x0], $0xffff;
	v5 =	vsub.f32 v55, v7;
	v2 =	vadd.f32 v2, v3;
	v3 =	vmul.f32 v4, v4  }
0x28e: {  	v1 =	vor.u32 $0x7, v1;
	v58 =	vshll.u32 v50, $0x10;
	v59 =	vshll.u32 v51, $0x10  }
0x28f: {  	v5 =	vmul.f32 v5, v5;
	v2 =	vadd.f32 v3, v2;
	v3 =	vsub.f32 v58, v59  }
0x290: {  	v62 =	vld.idx.msk [tilespmem:v53+s26+$0x0], $0xffff;
	v60 =	vand.u32 $0xFFFF0000, v51;
	v61 =	vand.u32 $0xFFFF0000, v50  }
0x291: {  	v63 =	vld.idx.msk [tilespmem:v53+s25+$0x0], $0xffff;
	v4 =	vsub.f32 v61, v60;
	v2 =	vadd.f32 v2, v5;
	v3 =	vmul.f32 v3, v3  }
0x292: {  	v12 =	vshll.u32 v57, $0x10;
	v13 =	vshll.u32 v56, $0x10  }
0x293: {  	v14 =	vsub.f32 v12, v13;
	v2 =	vadd.f32 v3, v2;
	v3 =	vmul.f32 v4, v4  }
0x294: {  	v15 =	vand.u32 $0xFFFF0000, v56;
	v16 =	vld.idx.msk [tilespmem:v1+s26+$0x0], $0xffff;
	v7 =	vand.u32 $0xFFFF0000, v57  }
0x295: {  	v1 =	vld.idx.msk [tilespmem:v1+s25+$0x0], $0xffff;
	v5 =	vsub.f32 v7, v15;
	v2 =	vadd.f32 v2, v3;
	v3 =	vmul.f32 v14, v14  }
0x296: {  	v17 =	vshll.u32 v63, $0x10;
	v18 =	vshll.u32 v62, $0x10  }
0x297: {  	v4 =	vsub.f32 v17, v18;
	v2 =	vadd.f32 v3, v2;
	v3 =	vmul.f32 v5, v5  }
0x298: {  	v19 =	vand.u32 $0xFFFF0000, v62;
	v6 =	vand.u32 $0xFFFF0000, v63  }
0x299: {  	v5 =	vsub.f32 v6, v19;
	v2 =	vadd.f32 v2, v3;
	v3 =	vmul.f32 v4, v4  }
0x29a: {  	v20 =	vshll.u32 v1, $0x10;
	v21 =	vshll.u32 v16, $0x10  }
0x29b: {  	v5 =	vmul.f32 v5, v5;
	v2 =	vadd.f32 v3, v2;
	v3 =	vsub.f32 v20, v21  }
0x29c: {  	v22 =	vand.u32 $0xFFFF0000, v16;
	v1 =	vand.u32 $0xFFFF0000, v1  }
0x29d: {  	v1 =	vsub.f32 v1, v22;
	v2 =	vadd.f32 v2, v5;
	v3 =	vmul.f32 v3, v3;
	_ =	sdelay $0x1  }
0x29e: {  	v1 =	vmul.f32 v1, v1;
	v2 =	vadd.f32 v3, v2;
	_ =	sdelay $0x1  }
0x29f: {  	v1 =	vadd.f32 v2, v1;
	_ =	sdelay $0x1  }
0x2a0: {  	v1 =	vadd.f32 $9.999999960e-13, v1;
	_ =	sdelay $0x1  }
0x2a1: {  	v2 =	vshra.s32 v1, $0x1;
	v3 =	vmul.f32 $5.000000000e-01, v1  }
0x2a2: {  	v2 =	vsub.s32 $0x5F3759DF, v2  }
0x2a3: {  	v23 =	vmul.f32 v2, v3;
	_ =	sdelay $0x1  }
0x2a4: {  	v4 =	vmul.f32 v2, v23;
	_ =	sdelay $0x1  }
0x2a5: {  	v4 =	vsub.f32 $1.500000000e+00, v4;
	_ =	sdelay $0x1  }
0x2a6: {  	v2 =	vmul.f32 v2, v4;
	_ =	sdelay $0x1  }
0x2a7: {  	v3 =	vmul.f32 v2, v3;
	_ =	sdelay $0x1  }
0x2a8: {  	v3 =	vmul.f32 v3, v2  }
0x2a9: {  	s7 =	sadd.s32 $0x10, s7  }
0x2aa: {  	v24 =	vmov s7;
	v3 =	vsub.f32 $1.500000000e+00, v3  }
0x2ab: {  	v4 =	vshll.u32 v24, $0x3  }
0x2ac: {  	v2 =	vmul.f32 v3, v2;
	v3 =	vor.u32 v0, v4;
	_ =	sdelay $0x1  }
0x2ad: {  	v1 =	vmul.f32 v2, v1;
	v2 =	vor.u32 $0x1, v3  }
0x2ae: {  	s18 =	sadd.s32 $0x20, s17  }
0x2af: {  	[tilespmem:s18+$0xFFFFFFF0] =	vst v1  }
0x2b0: {  	v1 =	vld.idx.msk [tilespmem:v3+s25+$0x0], $0xffff  }
0x2b1: {  	v25 =	vor.u32 $0x2, v3;
	v4 =	vld.idx.msk [tilespmem:v3+s26+$0x0], $0xffff  }
0x2b2: {  	v26 =	vld.idx.msk [tilespmem:v2+s26+$0x0], $0xffff  }
0x2b3: {  	v2 =	vld.idx.msk [tilespmem:v2+s25+$0x0], $0xffff;
	_ =	sdelay $0x1  }
0x2b4: {  	v27 =	vor.u32 $0x3, v3;
	v28 =	vshll.u32 v1, $0x10  }
0x2b5: {  	v29 =	vld.idx.msk [tilespmem:v25+s26+$0x0], $0xffff;
	v30 =	vshll.u32 v4, $0x10;
	v1 =	vand.u32 $0xFFFF0000, v1;
	v4 =	vand.u32 $0xFFFF0000, v4  }
0x2b6: {  	v5 =	vld.idx.msk [tilespmem:v25+s25+$0x0], $0xffff;
	v8 =	vsub.f32 v28, v30;
	v1 =	vsub.f32 v1, v4  }
0x2b7: {  	v33 =	vor.u32 $0x4, v3;
	v31 =	vshll.u32 v26, $0x10;
	v32 =	vshll.u32 v2, $0x10  }
0x2b8: {  	v8 =	vmul.f32 v8, v8;
	v1 =	vmul.f32 v1, v1;
	v4 =	vsub.f32 v32, v31  }
0x2b9: {  	v34 =	vld.idx.msk [tilespmem:v27+s26+$0x0], $0xffff;
	v2 =	vand.u32 $0xFFFF0000, v2;
	v6 =	vand.u32 $0xFFFF0000, v26  }
0x2ba: {  	v7 =	vld.idx.msk [tilespmem:v27+s25+$0x0], $0xffff;
	v2 =	vsub.f32 v2, v6;
	v1 =	vadd.f32 v1, v8;
	v4 =	vmul.f32 v4, v4  }
0x2bb: {  	v35 =	vor.u32 $0x5, v3;
	v36 =	vshll.u32 v5, $0x10;
	v37 =	vshll.u32 v29, $0x10  }
0x2bc: {  	v38 =	vsub.f32 v36, v37;
	v2 =	vmul.f32 v2, v2;
	v1 =	vadd.f32 v4, v1  }
0x2bd: {  	v39 =	vld.idx.msk [tilespmem:v33+s26+$0x0], $0xffff;
	v5 =	vand.u32 $0xFFFF0000, v5;
	v9 =	vand.u32 $0xFFFF0000, v29  }
0x2be: {  	v11 =	vld.idx.msk [tilespmem:v33+s25+$0x0], $0xffff;
	v4 =	vmul.f32 v38, v38;
	v1 =	vadd.f32 v1, v2;
	v2 =	vsub.f32 v5, v9  }
0x2bf: {  	v40 =	vor.u32 $0x6, v3;
	v41 =	vshll.u32 v7, $0x10;
	v42 =	vshll.u32 v34, $0x10  }
0x2c0: {  	v43 =	vsub.f32 v41, v42;
	v1 =	vadd.f32 v4, v1;
	v2 =	vmul.f32 v2, v2  }
0x2c1: {  	v44 =	vld.idx.msk [tilespmem:v35+s26+$0x0], $0xffff;
	v7 =	vand.u32 $0xFFFF0000, v7;
	v10 =	vand.u32 $0xFFFF0000, v34  }
0x2c2: {  	v6 =	vld.idx.msk [tilespmem:v35+s25+$0x0], $0xffff;
	v4 =	vmul.f32 v43, v43;
	v1 =	vadd.f32 v1, v2;
	v2 =	vsub.f32 v7, v10  }
0x2c3: {  	v3 =	vor.u32 $0x7, v3;
	v45 =	vshll.u32 v11, $0x10;
	v46 =	vshll.u32 v39, $0x10  }
0x2c4: {  	v47 =	vsub.f32 v45, v46;
	v1 =	vadd.f32 v4, v1;
	v2 =	vmul.f32 v2, v2  }
0x2c5: {  	v49 =	vld.idx.msk [tilespmem:v40+s26+$0x0], $0xffff;
	v48 =	vand.u32 $0xFFFF0000, v11;
	v8 =	vand.u32 $0xFFFF0000, v39  }
0x2c6: {  	v5 =	vld.idx.msk [tilespmem:v40+s25+$0x0], $0xffff;
	v4 =	vmul.f32 v47, v47;
	v1 =	vadd.f32 v1, v2;
	v2 =	vsub.f32 v48, v8  }
0x2c7: {  	v51 =	vshll.u32 v44, $0x10;
	v50 =	vshll.u32 v6, $0x10  }
0x2c8: {  	v52 =	vsub.f32 v50, v51;
	v1 =	vadd.f32 v4, v1;
	v2 =	vmul.f32 v2, v2  }
0x2c9: {  	v53 =	vld.idx.msk [tilespmem:v3+s26+$0x0], $0xffff;
	v54 =	vand.u32 $0xFFFF0000, v44;
	v6 =	vand.u32 $0xFFFF0000, v6  }
0x2ca: {  	v3 =	vld.idx.msk [tilespmem:v3+s25+$0x0], $0xffff;
	v4 =	vmul.f32 v52, v52;
	v1 =	vadd.f32 v1, v2;
	v2 =	vsub.f32 v6, v54  }
0x2cb: {  	v56 =	vshll.u32 v49, $0x10;
	v55 =	vshll.u32 v5, $0x10  }
0x2cc: {  	v57 =	vsub.f32 v55, v56;
	v1 =	vadd.f32 v4, v1;
	v2 =	vmul.f32 v2, v2  }
0x2cd: {  	v58 =	vand.u32 $0xFFFF0000, v49;
	v5 =	vand.u32 $0xFFFF0000, v5  }
0x2ce: {  	v4 =	vmul.f32 v57, v57;
	v1 =	vadd.f32 v1, v2;
	v2 =	vsub.f32 v5, v58  }
0x2cf: {  	v59 =	vshll.u32 v3, $0x10;
	v60 =	vshll.u32 v53, $0x10  }
0x2d0: {  	v61 =	vsub.f32 v59, v60;
	v1 =	vadd.f32 v4, v1;
	v2 =	vmul.f32 v2, v2  }
0x2d1: {  	v3 =	vand.u32 $0xFFFF0000, v3;
	v62 =	vand.u32 $0xFFFF0000, v53  }
0x2d2: {  	v1 =	vadd.f32 v1, v2;
	v2 =	vsub.f32 v3, v62;
	v3 =	vmul.f32 v61, v61;
	_ =	sdelay $0x1  }
0x2d3: {  	v1 =	vadd.f32 v3, v1;
	v2 =	vmul.f32 v2, v2;
	_ =	sdelay $0x1  }
0x2d4: {  	v1 =	vadd.f32 v1, v2;
	_ =	sdelay $0x1  }
0x2d5: {  	v1 =	vadd.f32 $9.999999960e-13, v1;
	_ =	sdelay $0x1  }
0x2d6: {  	v2 =	vshra.s32 v1, $0x1;
	v3 =	vmul.f32 $5.000000000e-01, v1  }
0x2d7: {  	v2 =	vsub.s32 $0x5F3759DF, v2  }
0x2d8: {  	v63 =	vmul.f32 v2, v3;
	_ =	sdelay $0x1  }
0x2d9: {  	v4 =	vmul.f32 v2, v63;
	_ =	sdelay $0x1  }
0x2da: {  	v4 =	vsub.f32 $1.500000000e+00, v4;
	_ =	sdelay $0x1  }
0x2db: {  	v2 =	vmul.f32 v2, v4;
	_ =	sdelay $0x1  }
0x2dc: {  	v3 =	vmul.f32 v2, v3;
	_ =	sdelay $0x1  }
0x2dd: {  	v3 =	vmul.f32 v3, v2;
	_ =	sdelay $0x1  }
0x2de: {  	v3 =	vsub.f32 $1.500000000e+00, v3;
	_ =	sdelay $0x1  }
0x2df: {  	v2 =	vmul.f32 v3, v2  }
.Ltmp7:
0x2e0: {  	_ = 	snop;
	(pc) =	sbr.rel .LBB2_8-.Ltmp7, $4  }
0x2e1: {  	v1 =	vmul.f32 v2, v1  }
0x2e2: {  	s2 =	sshll.u32 s2, $0x7  }
0x2e3: {  	s2 =	sadd.s32 s4, s2;
	[tilespmem:s18+$0x0] =	vst v1  }
0x2e4: {  	[hbm4b:s2+s5] =	stream.linear.scatter [tilespmem:s28], [sflag:$0x6], $0x400, $0x38;
	[tilespmem:$0x9800] =	vst v63  }
.LBB2_10:
0x2e5: {  	_ =	sfence.sel $0x180000  }
0x2e6: {  	[bflag:$0x0] =	sbarrier.arrive $0xFFFF  }
0x2e7: {  	_ =	strace $0x90000047  }
0x2e8: {  	s0 =	stileid.u32;
	[bflag:$0x2] =	sbarrier.arrive $0xFFFF  }
0x2e9: {  	p0 =	sne.s32 s0, $0x0;
	s0 =	rddreg [dreg:$0x4]  }
0x2ea: {  	s0 =	sadd.s32 @!p0 $0x100000, s0  }
0x2eb: {  	[sflag:s0] =	ssyncadd.tile.s32 @!p0 $0x1;
	_ =	shalt  }
.Lfunc_end2:
_tile_overlayer_lowered:
.L_overlay_start_2:
0x2ec: {  	(tag) =	ssettag $0x2  }
0x2ed: {  	s0 =	rddreg [dreg:$0x0];
	s2 =	stileid.u32  }
0x2ee: {  	s1 =	rddreg [dreg:$0x1];
	p0 =	sne.s32 s2, $0x0  }
0x2ef: {  	s3 =	rddreg [dreg:$0x2];
	[bflag:$0x3] =	sbarrier.arrive $0xFFFF;
	s2 =	simm.s32 @!p0 $0x1C07  }
0x2f0: {  	[timem:s3], [sflag:s2] =	dma.local @!p0 [hbm:s0], s1  }
0x2f1: {  	s0 =	simm.s32 @!p0 $0x7  }
0x2f2: {  	_ =	swait.ge @!p0 [sflag:s0], s1  }
0x2f3: {  	s1 =	ssub.s32 @!p0 $0x0, s1;
	[sflag:s0] =	ssyncset.done @!p0 $0x0  }
0x2f4: {  	[sflag:s0] =	ssyncadd.s32 @!p0 s1  }
0x2f5: {  	[bflag:$0x3] =	sbarrier.arrive $0xFFFF  }
0x2f6: {  	_ =	shalt  }

</sc_bundles>
